<compile_context>
chip_gen: v7x
topology: tpu7x:2x2x1
jax: 0.10.2.dev20260603
libtpu: 0.0.44.dev20260713+nightly
codegen_flags: <defaults>
</compile_context>

<pallas_src>
import jax
import jax.numpy as jnp
from jax import lax
from jax.experimental import pallas as pl
from jax.experimental.pallas import tpu as pltpu
from jax.experimental.pallas import tpu_sc as plsc

_N = 10000
_E = 320000
_D = 128
_H = 128
_C = 7

_NC = 2
_NS = 16
_NW = _NC * _NS
_EB = 128
_BLKS = -(-_E // (_NW * _EB))
_EPW = _BLKS * _EB
_E_PAD = _NW * _EPW
_NACC = 10240
_RPT = _NACC // _NS
_DW = 16
_RB = 2000
_GRID = _N // _RB



_sc_mesh = plsc.VectorSubcoreMesh(core_axis_name="c", subcore_axis_name="s",
                                  num_cores=_NC)


def _deg_body(dst_hbm, out_hbm, ones_v, idx_v, acc):
    c = lax.axis_index("c")
    s = lax.axis_index("s")
    w = c * _NS + s

    def _fill(val):
        def row(i, carry):
            ones_v[i, :] = jnp.full((_DW,), val, jnp.float32)
            return carry
        lax.fori_loop(0, _EB, row, 0)

    _fill(0.0)
    for k in range(_RPT // _EB):
        pltpu.sync_copy(ones_v, acc.at[pl.ds(s * _RPT + k * _EB, _EB)])
    _fill(1.0)
    plsc.subcore_barrier()

    def blk(j, carry):
        off = pl.multiple_of(w * _EPW + j * _EB, 8)
        pltpu.sync_copy(dst_hbm.at[pl.ds(off, _EB)], idx_v)
        pltpu.sync_copy(ones_v, acc.at[idx_v], add=True)
        return carry

    lax.fori_loop(0, _BLKS, blk, 0)
    plsc.subcore_barrier()
    pltpu.sync_copy(acc.at[pl.ds(s * _RPT, _RPT)],
                    out_hbm.at[c, pl.ds(s * _RPT, _RPT)])


_deg_call = pl.kernel(
    _deg_body,
    out_type=jax.ShapeDtypeStruct((_NC, _NACC, _DW), jnp.float32),
    mesh=_sc_mesh,
    scratch_types=[
        pltpu.VMEM((_EB, _DW), jnp.float32),
        pltpu.VMEM((_EB,), jnp.int32),
        pltpu.VMEM_SHARED((_NACC, _DW), jnp.float32),
    ],
)


def _agg_body(src_hbm, dst_hbm, q_hbm, out_hbm, src_v, dst_v, rows_v, acc, sem):
    c = lax.axis_index("c")
    s = lax.axis_index("s")
    w = c * _NS + s

    def zrow(i, carry):
        def zcol(j, carry2):
            rows_v[i, pl.ds(pl.multiple_of(j * 16, 16), 16)] = (
                jnp.zeros((16,), jnp.float32))
            return carry2
        return lax.fori_loop(0, _H // 16, zcol, carry)

    lax.fori_loop(0, _EB, zrow, 0)
    for k in range(_RPT // _EB):
        pltpu.sync_copy(rows_v, acc.at[pl.ds(s * _RPT + k * _EB, _EB)])
    plsc.subcore_barrier()

    def blk(j, carry):
        off = pl.multiple_of(w * _EPW + j * _EB, 8)
        pltpu.sync_copy(src_hbm.at[pl.ds(off, _EB)], src_v)
        pltpu.sync_copy(dst_hbm.at[pl.ds(off, _EB)], dst_v)
        pltpu.async_copy(q_hbm.at[src_v], rows_v, sem).wait()
        pltpu.sync_copy(rows_v, acc.at[dst_v], add=True)
        return carry

    lax.fori_loop(0, _BLKS, blk, 0)
    plsc.subcore_barrier()
    pltpu.sync_copy(acc.at[pl.ds(s * _RPT, _RPT)],
                    out_hbm.at[c, pl.ds(s * _RPT, _RPT)])


_agg_call = pl.kernel(
    _agg_body,
    out_type=jax.ShapeDtypeStruct((_NC, _NACC, _H), jnp.float32),
    mesh=_sc_mesh,
    scratch_types=[
        pltpu.VMEM((_EB,), jnp.int32),
        pltpu.VMEM((_EB,), jnp.int32),
        pltpu.VMEM((_EB, _H), jnp.float32),
        pltpu.VMEM_SHARED((_NACC, _H), jnp.float32),
        pltpu.SemaphoreType.DMA,
    ],
)



def _dinv_of(d0_ref, d1_ref):
    deg = d0_ref[0, :, 0:1] + d1_ref[0, :, 0:1] + 1.0
    return lax.rsqrt(deg)


def _tc1_body(x_ref, w_ref, d0_ref, d1_ref, q_ref):
    dinv = _dinv_of(d0_ref, d1_ref)
    q_ref[...] = jnp.dot(x_ref[...], w_ref[...],
                         preferred_element_type=jnp.float32) * dinv


_tc1 = pl.pallas_call(
    _tc1_body,
    grid=(_GRID,),
    in_specs=[
        pl.BlockSpec((_RB, _D), lambda i: (i, 0)),
        pl.BlockSpec((_D, _H), lambda i: (0, 0)),
        pl.BlockSpec((1, _RB, _DW), lambda i: (0, i, 0)),
        pl.BlockSpec((1, _RB, _DW), lambda i: (1, i, 0)),
    ],
    out_specs=pl.BlockSpec((_RB, _H), lambda i: (i, 0)),
    out_shape=jax.ShapeDtypeStruct((_N, _H), jnp.float32),
)


def _tc2_body(s0_ref, s1_ref, q_ref, d0_ref, d1_ref, w_ref, b_ref, o_ref):
    dinv = _dinv_of(d0_ref, d1_ref)
    agg = (s0_ref[0] + s1_ref[0] + q_ref[...]) * dinv + b_ref[...]
    h = jnp.maximum(agg, 0.0)
    o_ref[...] = jnp.dot(h, w_ref[...],
                         preferred_element_type=jnp.float32) * dinv


_tc2 = pl.pallas_call(
    _tc2_body,
    grid=(_GRID,),
    in_specs=[
        pl.BlockSpec((1, _RB, _H), lambda i: (0, i, 0)),
        pl.BlockSpec((1, _RB, _H), lambda i: (1, i, 0)),
        pl.BlockSpec((_RB, _H), lambda i: (i, 0)),
        pl.BlockSpec((1, _RB, _DW), lambda i: (0, i, 0)),
        pl.BlockSpec((1, _RB, _DW), lambda i: (1, i, 0)),
        pl.BlockSpec((_H, _H), lambda i: (0, 0)),
        pl.BlockSpec((1, _H), lambda i: (0, 0)),
    ],
    out_specs=pl.BlockSpec((_RB, _H), lambda i: (i, 0)),
    out_shape=jax.ShapeDtypeStruct((_N, _H), jnp.float32),
)


def _tc3_body(s0_ref, s1_ref, q_ref, d0_ref, d1_ref, w_ref, b_ref, bo_ref,
              o_ref):
    dinv = _dinv_of(d0_ref, d1_ref)
    agg = (s0_ref[0] + s1_ref[0] + q_ref[...]) * dinv + b_ref[...]
    h = jnp.maximum(agg, 0.0)
    logits = jnp.dot(h, w_ref[...],
                     preferred_element_type=jnp.float32) + bo_ref[...]
    col = lax.broadcasted_iota(jnp.int32, (_RB, _H), 1)
    masked = jnp.where(col < _C, logits, -1e30)
    m = jnp.max(masked, axis=1, keepdims=True)
    e = jnp.exp(masked - m)
    o_ref[...] = e / jnp.sum(e, axis=1, keepdims=True)


_tc3 = pl.pallas_call(
    _tc3_body,
    grid=(_GRID,),
    in_specs=[
        pl.BlockSpec((1, _RB, _H), lambda i: (0, i, 0)),
        pl.BlockSpec((1, _RB, _H), lambda i: (1, i, 0)),
        pl.BlockSpec((_RB, _H), lambda i: (i, 0)),
        pl.BlockSpec((1, _RB, _DW), lambda i: (0, i, 0)),
        pl.BlockSpec((1, _RB, _DW), lambda i: (1, i, 0)),
        pl.BlockSpec((_H, _H), lambda i: (0, 0)),
        pl.BlockSpec((1, _H), lambda i: (0, 0)),
        pl.BlockSpec((1, _H), lambda i: (0, 0)),
    ],
    out_specs=pl.BlockSpec((_RB, _H), lambda i: (i, 0)),
    out_shape=jax.ShapeDtypeStruct((_N, _H), jnp.float32),
)



@jax.jit
def kernel(x, edge_index, W1, b1, W2, b2, W_out, b_out):
    src = edge_index[0].astype(jnp.int32)
    dst = edge_index[1].astype(jnp.int32)
    pad = _E_PAD - _E
    src_p = jnp.concatenate([src, jnp.zeros((pad,), jnp.int32)])
    dst_p = jnp.concatenate([dst, jnp.full((pad,), _N, jnp.int32)])

    degp = _deg_call(dst_p)
    q1 = _tc1(x, W1, degp, degp)
    s1 = _agg_call(src_p, dst_p, q1)
    q2 = _tc2(s1, s1, q1, degp, degp, W2, b1.reshape(1, _H))
    s2 = _agg_call(src_p, dst_p, q2)
    w_out_p = jnp.zeros((_H, _H), jnp.float32).at[:, :_C].set(W_out)
    b_out_p = jnp.zeros((1, _H), jnp.float32).at[0, :_C].set(b_out)
    probs = _tc3(s2, s2, q2, degp, degp, w_out_p, b2.reshape(1, _H), b_out_p)
    return probs[:, :_C]

# --- scband reference (transcript-rebuilt; emitter-appended) ---
"""Pipeline reference for scband-gcn-18726057411085 (READ-ONLY COPY).

The authoritative reference and input builder live on the scoring server;
editing this copy changes nothing except your own understanding.
"""

import jax, jax.numpy as jnp
import numpy as np

N = 10000
E = 320000
D = 128
H = 128
C = 7


def setup_inputs(seed: int = 0) -> dict:
    key = jax.random.key(seed)
    ks = jax.random.split(key, 6)
    x = jax.random.normal(ks[0], (N, D), dtype=jnp.float32)
    edge_index = jax.random.randint(ks[1], (2, E), 0, N)
    W1 = jax.random.normal(ks[2], (D, H), dtype=jnp.float32) * (1.0 / np.sqrt(D))
    b1 = jnp.zeros((H,), jnp.float32)
    W2 = jax.random.normal(ks[3], (H, H), dtype=jnp.float32) * (1.0 / np.sqrt(H))
    b2 = jnp.zeros((H,), jnp.float32)
    W_out = jax.random.normal(ks[4], (H, C), dtype=jnp.float32) * (1.0 / np.sqrt(H))
    b_out = jnp.zeros((C,), jnp.float32)
    return {"x": x, "edge_index": edge_index, "W1": W1, "b1": b1, "W2": W2, "b2": b2, "W_out": W_out, "b_out": b_out}


def _gcn_conv(x, src, dst, W, b, n):
    # GCNConv: D^{-1/2} (A + I) D^{-1/2} X W + b  (self-loops already appended to src/dst)
    h = x @ W
    deg = jax.ops.segment_sum(jnp.ones(src.shape[0], dtype=x.dtype), dst, num_segments=n)
    dinv = jnp.where(deg > 0, jax.lax.rsqrt(deg), 0.0)
    norm = dinv[src] * dinv[dst]
    msg = h[src] * norm[:, None]
    out = jax.ops.segment_sum(msg, dst, num_segments=n)
    return out + b


def reference(x, edge_index, W1, b1, W2, b2, W_out, b_out):
    n = x.shape[0]
    loop = jnp.arange(n, dtype=edge_index.dtype)
    src = jnp.concatenate([edge_index[0], loop])
    dst = jnp.concatenate([edge_index[1], loop])
    h = _gcn_conv(x, src, dst, W1, b1, n)
    h = jax.nn.relu(h)
    # dropout is identity in eval mode
    h = _gcn_conv(h, src, dst, W2, b2, n)
    h = jax.nn.relu(h)
    logits = h @ W_out + b_out
    return jax.nn.softmax(logits, axis=1)

if __name__ == "__main__":
    import jax
    _d = setup_inputs()
    print(jax.jit(kernel)(*tuple(_d.values())))

</pallas_src>

<mosaic_0001>
#map = affine_map<(d0, d1) -> (0)>
#map1 = affine_map<(d0, d1) -> (0, 0)>
#map2 = affine_map<(d0, d1) -> (0, 0, 0)>
module attributes {stable_mosaic.version = 14 : i64} {
  func.func @_agg_body(%arg0: i32, %arg1: i32, %arg2: memref<323584xi32, #tpu.memory_space<hbm>>, %arg3: memref<323584xi32, #tpu.memory_space<hbm>>, %arg4: memref<10000x128xf32, #tpu.memory_space<hbm>>, %arg5: memref<2x10240x128xf32, #tpu.memory_space<hbm>>, %arg6: memref<128xi32, #tpu.memory_space<vmem>>, %arg7: memref<128xi32, #tpu.memory_space<vmem>>, %arg8: memref<128x128xf32, #tpu.memory_space<vmem>>, %arg9: memref<10240x128xf32, #tpu.memory_space<vmem_shared>>, %arg10: memref<!tpu.dma_semaphore, #tpu.memory_space<semaphore_mem>>) attributes {dimension_semantics = [#tpu.dimension_semantics<core_parallel>, #tpu.dimension_semantics<subcore_parallel>], iteration_bounds = array<i64: 2, 16>, scalar_prefetch = 0 : i64, scratch_operands = 5 : i64, tpu.core_type = #tpu.core_type<sc_vector_subcore>, window_params = [{transform_indices = #map}, {transform_indices = #map}, {transform_indices = #map1}, {transform_indices = #map2}]} {
    %mul3A = arith.constant 16 : i32
    %mul3A_0 = arith.muli %arg0, %mul3A : i32
    %add3A = arith.addi %mul3A_0, %arg1 : i32
    %scan3A = arith.constant 0 : i32
    %scan3A_1 = arith.constant 0 : i32
    %scan3A_2 = arith.constant 128 : i32
    %scan3A_3 = arith.addi %scan3A_1, %scan3A_2 : i32
    %scan3A_4 = arith.constant 1 : i32
    scf.for %scan3A_37 = %scan3A_1 to %scan3A_3 step %scan3A_4  : i32 {
      %scan3A_38 = arith.constant 0 : i32
      %scan3A_39 = arith.constant 8 : i32
      %scan3A_40 = arith.addi %scan3A_38, %scan3A_39 : i32
      %scan3A_41 = arith.constant 1 : i32
      scf.for %scan3A_43 = %scan3A_38 to %scan3A_40 step %scan3A_41  : i32 {
        %broadcast_in_dim3A = arith.constant 0.000000e+00 : f32
        %broadcast_in_dim3A_44 = vector.broadcast %broadcast_in_dim3A : f32 to vector<16xf32>
        %mul3A_45 = arith.constant 16 : i32
        %mul3A_46 = arith.muli %scan3A_43, %mul3A_45 : i32
        %multiple_of3A = tpu.assume_multiple %mul3A_46, 16 : i32
        %swap3A = arith.index_cast %scan3A_37 : i32 to index
        %swap3A_47 = arith.index_cast %multiple_of3A : i32 to index
        %swap3A_48 = tpu.vector_load %arg8[%swap3A, %swap3A_47] {strides = array<i32>} : memref<128x128xf32, #tpu.memory_space<vmem>>, vector<1x16xf32>,
        %swap3A_49 = vector.shape_cast %swap3A_48 : vector<1x16xf32> to vector<16xf32>
        %swap3A_50 = vector.shape_cast %broadcast_in_dim3A_44 : vector<16xf32> to vector<1x16xf32>
        tpu.vector_store %arg8[%swap3A, %swap3A_47], %swap3A_50 {strides = array<i32>} : memref<128x128xf32, #tpu.memory_space<vmem>>, vector<1x16xf32>,
      }
      %scan3A_42 = arith.constant 8 : i32
    }
    %scan3A_5 = arith.constant 128 : i32
    %mul3A_6 = arith.constant 640 : i32
    %mul3A_7 = arith.muli %arg1, %mul3A_6 : i32
    %add3A_8 = arith.constant 0 : i32
    %add3A_9 = arith.addi %mul3A_7, %add3A_8 : i32
    "tpu.region"() ({
      %run_scoped3A = tpu.sem_alloc : memref<!tpu.dma_semaphore, #tpu.memory_space<semaphore_mem>>
      %dma_start3A = arith.constant 0 : i32
      %dma_start3A_37 = tpu.memref_slice %arg9[%add3A_9, %dma_start3A] : memref<10240x128xf32, #tpu.memory_space<vmem_shared>> -> memref<128x128xf32, #tpu.memory_space<vmem_shared>>
      %dma_start3A_38 = arith.constant 0 : i32
      %dma_start3A_39 = tpu.memref_slice %arg9[%add3A_9, %dma_start3A_38] : memref<10240x128xf32, #tpu.memory_space<vmem_shared>> -> memref<128x128xf32, #tpu.memory_space<vmem_shared>>
      tpu.enqueue_dma source(%arg8 : memref<128x128xf32, #tpu.memory_space<vmem>>) target(%dma_start3A_39 : memref<128x128xf32, #tpu.memory_space<vmem_shared>>) target_semaphore(%run_scoped3A : memref<!tpu.dma_semaphore, #tpu.memory_space<semaphore_mem>>)
      %dma_wait3A = arith.constant 0 : i32
      %dma_wait3A_40 = tpu.memref_slice %arg9[%add3A_9, %dma_wait3A] : memref<10240x128xf32, #tpu.memory_space<vmem_shared>> -> memref<128x128xf32, #tpu.memory_space<vmem_shared>>
      %dma_wait3A_41 = arith.constant 0 : i32
      %dma_wait3A_42 = tpu.memref_slice %arg9[%add3A_9, %dma_wait3A_41] : memref<10240x128xf32, #tpu.memory_space<vmem_shared>> -> memref<128x128xf32, #tpu.memory_space<vmem_shared>>
      tpu.wait_dma2 semaphore(%run_scoped3A : memref<!tpu.dma_semaphore, #tpu.memory_space<semaphore_mem>>) src(%arg8 : memref<128x128xf32, #tpu.memory_space<vmem>>) dst(%dma_wait3A_42 : memref<128x128xf32, #tpu.memory_space<vmem_shared>>)
      tpu.yield
    }) : () -> ()
    %mul3A_10 = arith.constant 640 : i32
    %mul3A_11 = arith.muli %arg1, %mul3A_10 : i32
    %add3A_12 = arith.constant 128 : i32
    %add3A_13 = arith.addi %mul3A_11, %add3A_12 : i32
    "tpu.region"() ({
      %run_scoped3A = tpu.sem_alloc : memref<!tpu.dma_semaphore, #tpu.memory_space<semaphore_mem>>
      %dma_start3A = arith.constant 0 : i32
      %dma_start3A_37 = tpu.memref_slice %arg9[%add3A_13, %dma_start3A] : memref<10240x128xf32, #tpu.memory_space<vmem_shared>> -> memref<128x128xf32, #tpu.memory_space<vmem_shared>>
      %dma_start3A_38 = arith.constant 0 : i32
      %dma_start3A_39 = tpu.memref_slice %arg9[%add3A_13, %dma_start3A_38] : memref<10240x128xf32, #tpu.memory_space<vmem_shared>> -> memref<128x128xf32, #tpu.memory_space<vmem_shared>>
      tpu.enqueue_dma source(%arg8 : memref<128x128xf32, #tpu.memory_space<vmem>>) target(%dma_start3A_39 : memref<128x128xf32, #tpu.memory_space<vmem_shared>>) target_semaphore(%run_scoped3A : memref<!tpu.dma_semaphore, #tpu.memory_space<semaphore_mem>>)
      %dma_wait3A = arith.constant 0 : i32
      %dma_wait3A_40 = tpu.memref_slice %arg9[%add3A_13, %dma_wait3A] : memref<10240x128xf32, #tpu.memory_space<vmem_shared>> -> memref<128x128xf32, #tpu.memory_space<vmem_shared>>
      %dma_wait3A_41 = arith.constant 0 : i32
      %dma_wait3A_42 = tpu.memref_slice %arg9[%add3A_13, %dma_wait3A_41] : memref<10240x128xf32, #tpu.memory_space<vmem_shared>> -> memref<128x128xf32, #tpu.memory_space<vmem_shared>>
      tpu.wait_dma2 semaphore(%run_scoped3A : memref<!tpu.dma_semaphore, #tpu.memory_space<semaphore_mem>>) src(%arg8 : memref<128x128xf32, #tpu.memory_space<vmem>>) dst(%dma_wait3A_42 : memref<128x128xf32, #tpu.memory_space<vmem_shared>>)
      tpu.yield
    }) : () -> ()
    %mul3A_14 = arith.constant 640 : i32
    %mul3A_15 = arith.muli %arg1, %mul3A_14 : i32
    %add3A_16 = arith.constant 256 : i32
    %add3A_17 = arith.addi %mul3A_15, %add3A_16 : i32
    "tpu.region"() ({
      %run_scoped3A = tpu.sem_alloc : memref<!tpu.dma_semaphore, #tpu.memory_space<semaphore_mem>>
      %dma_start3A = arith.constant 0 : i32
      %dma_start3A_37 = tpu.memref_slice %arg9[%add3A_17, %dma_start3A] : memref<10240x128xf32, #tpu.memory_space<vmem_shared>> -> memref<128x128xf32, #tpu.memory_space<vmem_shared>>
      %dma_start3A_38 = arith.constant 0 : i32
      %dma_start3A_39 = tpu.memref_slice %arg9[%add3A_17, %dma_start3A_38] : memref<10240x128xf32, #tpu.memory_space<vmem_shared>> -> memref<128x128xf32, #tpu.memory_space<vmem_shared>>
      tpu.enqueue_dma source(%arg8 : memref<128x128xf32, #tpu.memory_space<vmem>>) target(%dma_start3A_39 : memref<128x128xf32, #tpu.memory_space<vmem_shared>>) target_semaphore(%run_scoped3A : memref<!tpu.dma_semaphore, #tpu.memory_space<semaphore_mem>>)
      %dma_wait3A = arith.constant 0 : i32
      %dma_wait3A_40 = tpu.memref_slice %arg9[%add3A_17, %dma_wait3A] : memref<10240x128xf32, #tpu.memory_space<vmem_shared>> -> memref<128x128xf32, #tpu.memory_space<vmem_shared>>
      %dma_wait3A_41 = arith.constant 0 : i32
      %dma_wait3A_42 = tpu.memref_slice %arg9[%add3A_17, %dma_wait3A_41] : memref<10240x128xf32, #tpu.memory_space<vmem_shared>> -> memref<128x128xf32, #tpu.memory_space<vmem_shared>>
      tpu.wait_dma2 semaphore(%run_scoped3A : memref<!tpu.dma_semaphore, #tpu.memory_space<semaphore_mem>>) src(%arg8 : memref<128x128xf32, #tpu.memory_space<vmem>>) dst(%dma_wait3A_42 : memref<128x128xf32, #tpu.memory_space<vmem_shared>>)
      tpu.yield
    }) : () -> ()
    %mul3A_18 = arith.constant 640 : i32
    %mul3A_19 = arith.muli %arg1, %mul3A_18 : i32
    %add3A_20 = arith.constant 384 : i32
    %add3A_21 = arith.addi %mul3A_19, %add3A_20 : i32
    "tpu.region"() ({
      %run_scoped3A = tpu.sem_alloc : memref<!tpu.dma_semaphore, #tpu.memory_space<semaphore_mem>>
      %dma_start3A = arith.constant 0 : i32
      %dma_start3A_37 = tpu.memref_slice %arg9[%add3A_21, %dma_start3A] : memref<10240x128xf32, #tpu.memory_space<vmem_shared>> -> memref<128x128xf32, #tpu.memory_space<vmem_shared>>
      %dma_start3A_38 = arith.constant 0 : i32
      %dma_start3A_39 = tpu.memref_slice %arg9[%add3A_21, %dma_start3A_38] : memref<10240x128xf32, #tpu.memory_space<vmem_shared>> -> memref<128x128xf32, #tpu.memory_space<vmem_shared>>
      tpu.enqueue_dma source(%arg8 : memref<128x128xf32, #tpu.memory_space<vmem>>) target(%dma_start3A_39 : memref<128x128xf32, #tpu.memory_space<vmem_shared>>) target_semaphore(%run_scoped3A : memref<!tpu.dma_semaphore, #tpu.memory_space<semaphore_mem>>)
      %dma_wait3A = arith.constant 0 : i32
      %dma_wait3A_40 = tpu.memref_slice %arg9[%add3A_21, %dma_wait3A] : memref<10240x128xf32, #tpu.memory_space<vmem_shared>> -> memref<128x128xf32, #tpu.memory_space<vmem_shared>>
      %dma_wait3A_41 = arith.constant 0 : i32
      %dma_wait3A_42 = tpu.memref_slice %arg9[%add3A_21, %dma_wait3A_41] : memref<10240x128xf32, #tpu.memory_space<vmem_shared>> -> memref<128x128xf32, #tpu.memory_space<vmem_shared>>
      tpu.wait_dma2 semaphore(%run_scoped3A : memref<!tpu.dma_semaphore, #tpu.memory_space<semaphore_mem>>) src(%arg8 : memref<128x128xf32, #tpu.memory_space<vmem>>) dst(%dma_wait3A_42 : memref<128x128xf32, #tpu.memory_space<vmem_shared>>)
      tpu.yield
    }) : () -> ()
    %mul3A_22 = arith.constant 640 : i32
    %mul3A_23 = arith.muli %arg1, %mul3A_22 : i32
    %add3A_24 = arith.constant 512 : i32
    %add3A_25 = arith.addi %mul3A_23, %add3A_24 : i32
    "tpu.region"() ({
      %run_scoped3A = tpu.sem_alloc : memref<!tpu.dma_semaphore, #tpu.memory_space<semaphore_mem>>
      %dma_start3A = arith.constant 0 : i32
      %dma_start3A_37 = tpu.memref_slice %arg9[%add3A_25, %dma_start3A] : memref<10240x128xf32, #tpu.memory_space<vmem_shared>> -> memref<128x128xf32, #tpu.memory_space<vmem_shared>>
      %dma_start3A_38 = arith.constant 0 : i32
      %dma_start3A_39 = tpu.memref_slice %arg9[%add3A_25, %dma_start3A_38] : memref<10240x128xf32, #tpu.memory_space<vmem_shared>> -> memref<128x128xf32, #tpu.memory_space<vmem_shared>>
      tpu.enqueue_dma source(%arg8 : memref<128x128xf32, #tpu.memory_space<vmem>>) target(%dma_start3A_39 : memref<128x128xf32, #tpu.memory_space<vmem_shared>>) target_semaphore(%run_scoped3A : memref<!tpu.dma_semaphore, #tpu.memory_space<semaphore_mem>>)
      %dma_wait3A = arith.constant 0 : i32
      %dma_wait3A_40 = tpu.memref_slice %arg9[%add3A_25, %dma_wait3A] : memref<10240x128xf32, #tpu.memory_space<vmem_shared>> -> memref<128x128xf32, #tpu.memory_space<vmem_shared>>
      %dma_wait3A_41 = arith.constant 0 : i32
      %dma_wait3A_42 = tpu.memref_slice %arg9[%add3A_25, %dma_wait3A_41] : memref<10240x128xf32, #tpu.memory_space<vmem_shared>> -> memref<128x128xf32, #tpu.memory_space<vmem_shared>>
      tpu.wait_dma2 semaphore(%run_scoped3A : memref<!tpu.dma_semaphore, #tpu.memory_space<semaphore_mem>>) src(%arg8 : memref<128x128xf32, #tpu.memory_space<vmem>>) dst(%dma_wait3A_42 : memref<128x128xf32, #tpu.memory_space<vmem_shared>>)
      tpu.yield
    }) : () -> ()
    %barrier3A = arith.constant 0 : index
    tpu.barrier barrier_id(%barrier3A)
    %scan3A_26 = arith.constant 0 : i32
    %scan3A_27 = arith.constant 0 : i32
    %scan3A_28 = arith.constant 79 : i32
    %scan3A_29 = arith.addi %scan3A_27, %scan3A_28 : i32
    %scan3A_30 = arith.constant 1 : i32
    scf.for %scan3A_37 = %scan3A_27 to %scan3A_29 step %scan3A_30  : i32 {
      %mul3A_38 = arith.constant 10112 : i32
      %mul3A_39 = arith.muli %add3A, %mul3A_38 : i32
      %mul3A_40 = arith.constant 128 : i32
      %mul3A_41 = arith.muli %scan3A_37, %mul3A_40 : i32
      %add3A_42 = arith.addi %mul3A_39, %mul3A_41 : i32
      %multiple_of3A = tpu.assume_multiple %add3A_42, 8 : i32
      "tpu.region"() ({
        %run_scoped3A = tpu.sem_alloc : memref<!tpu.dma_semaphore, #tpu.memory_space<semaphore_mem>>
        %dma_start3A_47 = tpu.memref_slice %arg2[%multiple_of3A] : memref<323584xi32, #tpu.memory_space<hbm>> -> memref<128xi32, #tpu.memory_space<hbm>>
        %dma_start3A_48 = tpu.memref_slice %arg2[%multiple_of3A] : memref<323584xi32, #tpu.memory_space<hbm>> -> memref<128xi32, #tpu.memory_space<hbm>>
        tpu.enqueue_dma source(%dma_start3A_48 : memref<128xi32, #tpu.memory_space<hbm>>) target(%arg6 : memref<128xi32, #tpu.memory_space<vmem>>) target_semaphore(%run_scoped3A : memref<!tpu.dma_semaphore, #tpu.memory_space<semaphore_mem>>)
        %dma_wait3A_49 = tpu.memref_slice %arg2[%multiple_of3A] : memref<323584xi32, #tpu.memory_space<hbm>> -> memref<128xi32, #tpu.memory_space<hbm>>
        %dma_wait3A_50 = tpu.memref_slice %arg2[%multiple_of3A] : memref<323584xi32, #tpu.memory_space<hbm>> -> memref<128xi32, #tpu.memory_space<hbm>>
        tpu.wait_dma2 semaphore(%run_scoped3A : memref<!tpu.dma_semaphore, #tpu.memory_space<semaphore_mem>>) src(%dma_wait3A_50 : memref<128xi32, #tpu.memory_space<hbm>>) dst(%arg6 : memref<128xi32, #tpu.memory_space<vmem>>)
        tpu.yield
      }) : () -> ()
      "tpu.region"() ({
        %run_scoped3A = tpu.sem_alloc : memref<!tpu.dma_semaphore, #tpu.memory_space<semaphore_mem>>
        %dma_start3A_47 = tpu.memref_slice %arg3[%multiple_of3A] : memref<323584xi32, #tpu.memory_space<hbm>> -> memref<128xi32, #tpu.memory_space<hbm>>
        %dma_start3A_48 = tpu.memref_slice %arg3[%multiple_of3A] : memref<323584xi32, #tpu.memory_space<hbm>> -> memref<128xi32, #tpu.memory_space<hbm>>
        tpu.enqueue_dma source(%dma_start3A_48 : memref<128xi32, #tpu.memory_space<hbm>>) target(%arg7 : memref<128xi32, #tpu.memory_space<vmem>>) target_semaphore(%run_scoped3A : memref<!tpu.dma_semaphore, #tpu.memory_space<semaphore_mem>>)
        %dma_wait3A_49 = tpu.memref_slice %arg3[%multiple_of3A] : memref<323584xi32, #tpu.memory_space<hbm>> -> memref<128xi32, #tpu.memory_space<hbm>>
        %dma_wait3A_50 = tpu.memref_slice %arg3[%multiple_of3A] : memref<323584xi32, #tpu.memory_space<hbm>> -> memref<128xi32, #tpu.memory_space<hbm>>
        tpu.wait_dma2 semaphore(%run_scoped3A : memref<!tpu.dma_semaphore, #tpu.memory_space<semaphore_mem>>) src(%dma_wait3A_50 : memref<128xi32, #tpu.memory_space<hbm>>) dst(%arg7 : memref<128xi32, #tpu.memory_space<vmem>>)
        tpu.yield
      }) : () -> ()
      %dma_start3A = arith.constant 0 : i32
      %dma_start3A_43 = arith.constant 0 : i32
      %dma_start3A_44 = tpu.memref_slice %arg4[%dma_start3A, %dma_start3A_43] : memref<10000x128xf32, #tpu.memory_space<hbm>> -> memref<10000x128xf32, #tpu.memory_space<hbm>>
      tpu.enqueue_indirect_dma source(%dma_start3A_44 : memref<10000x128xf32, #tpu.memory_space<hbm>>) target(%arg8 : memref<128x128xf32, #tpu.memory_space<vmem>>) offsets(%arg6 : memref<128xi32, #tpu.memory_space<vmem>>) semaphore(%arg10 : memref<!tpu.dma_semaphore, #tpu.memory_space<semaphore_mem>>)
      %dma_wait3A = arith.constant 0 : i32
      %dma_wait3A_45 = arith.constant 0 : i32
      %dma_wait3A_46 = tpu.memref_slice %arg4[%dma_wait3A, %dma_wait3A_45] : memref<10000x128xf32, #tpu.memory_space<hbm>> -> memref<10000x128xf32, #tpu.memory_space<hbm>>
      tpu.wait_indirect_dma semaphore(%arg10 : memref<!tpu.dma_semaphore, #tpu.memory_space<semaphore_mem>>) src(%dma_wait3A_46 : memref<10000x128xf32, #tpu.memory_space<hbm>>) dst(%arg8 : memref<128x128xf32, #tpu.memory_space<vmem>>)
      "tpu.region"() ({
        %run_scoped3A = tpu.sem_alloc : memref<!tpu.dma_semaphore, #tpu.memory_space<semaphore_mem>>
        %dma_start3A_47 = arith.constant 0 : i32
        %dma_start3A_48 = arith.constant 0 : i32
        %dma_start3A_49 = tpu.memref_slice %arg9[%dma_start3A_47, %dma_start3A_48] : memref<10240x128xf32, #tpu.memory_space<vmem_shared>> -> memref<10240x128xf32, #tpu.memory_space<vmem_shared>>
        tpu.enqueue_indirect_dma source(%arg8 : memref<128x128xf32, #tpu.memory_space<vmem>>) target(%dma_start3A_49 : memref<10240x128xf32, #tpu.memory_space<vmem_shared>>) offsets(%arg7 : memref<128xi32, #tpu.memory_space<vmem>>) semaphore(%run_scoped3A : memref<!tpu.dma_semaphore, #tpu.memory_space<semaphore_mem>>) {add = true}
        %dma_wait3A_50 = arith.constant 0 : i32
        %dma_wait3A_51 = arith.constant 0 : i32
        %dma_wait3A_52 = tpu.memref_slice %arg9[%dma_wait3A_50, %dma_wait3A_51] : memref<10240x128xf32, #tpu.memory_space<vmem_shared>> -> memref<10240x128xf32, #tpu.memory_space<vmem_shared>>
        tpu.wait_indirect_dma semaphore(%run_scoped3A : memref<!tpu.dma_semaphore, #tpu.memory_space<semaphore_mem>>) src(%arg8 : memref<128x128xf32, #tpu.memory_space<vmem>>) dst(%dma_wait3A_52 : memref<10240x128xf32, #tpu.memory_space<vmem_shared>>)
        tpu.yield
      }) : () -> ()
    }
    %scan3A_31 = arith.constant 79 : i32
    %barrier3A_32 = arith.constant 0 : index
    tpu.barrier barrier_id(%barrier3A_32)
    %mul3A_33 = arith.constant 640 : i32
    %mul3A_34 = arith.muli %arg1, %mul3A_33 : i32
    %mul3A_35 = arith.constant 640 : i32
    %mul3A_36 = arith.muli %arg1, %mul3A_35 : i32
    "tpu.region"() ({
      %run_scoped3A = tpu.sem_alloc : memref<!tpu.dma_semaphore, #tpu.memory_space<semaphore_mem>>
      %dma_start3A = arith.constant 0 : i32
      %dma_start3A_37 = tpu.memref_slice %arg5[%arg0, %mul3A_36, %dma_start3A] : memref<2x10240x128xf32, #tpu.memory_space<hbm>> -> memref<1x640x128xf32, #tpu.memory_space<hbm>>
      %dma_start3A_38 = tpu.memref_squeeze %dma_start3A_37 : memref<1x640x128xf32, #tpu.memory_space<hbm>> -> memref<640x128xf32, #tpu.memory_space<hbm>>
      %dma_start3A_39 = arith.constant 0 : i32
      %dma_start3A_40 = tpu.memref_slice %arg9[%mul3A_34, %dma_start3A_39] : memref<10240x128xf32, #tpu.memory_space<vmem_shared>> -> memref<640x128xf32, #tpu.memory_space<vmem_shared>>
      tpu.enqueue_dma source(%dma_start3A_40 : memref<640x128xf32, #tpu.memory_space<vmem_shared>>) target(%dma_start3A_38 : memref<640x128xf32, #tpu.memory_space<hbm>>) target_semaphore(%run_scoped3A : memref<!tpu.dma_semaphore, #tpu.memory_space<semaphore_mem>>)
      %dma_wait3A = arith.constant 0 : i32
      %dma_wait3A_41 = tpu.memref_slice %arg5[%arg0, %mul3A_36, %dma_wait3A] : memref<2x10240x128xf32, #tpu.memory_space<hbm>> -> memref<1x640x128xf32, #tpu.memory_space<hbm>>
      %dma_wait3A_42 = tpu.memref_squeeze %dma_wait3A_41 : memref<1x640x128xf32, #tpu.memory_space<hbm>> -> memref<640x128xf32, #tpu.memory_space<hbm>>
      %dma_wait3A_43 = arith.constant 0 : i32
      %dma_wait3A_44 = tpu.memref_slice %arg9[%mul3A_34, %dma_wait3A_43] : memref<10240x128xf32, #tpu.memory_space<vmem_shared>> -> memref<640x128xf32, #tpu.memory_space<vmem_shared>>
      tpu.wait_dma2 semaphore(%run_scoped3A : memref<!tpu.dma_semaphore, #tpu.memory_space<semaphore_mem>>) src(%dma_wait3A_44 : memref<640x128xf32, #tpu.memory_space<vmem_shared>>) dst(%dma_wait3A_42 : memref<640x128xf32, #tpu.memory_space<hbm>>)
      tpu.yield
    }) : () -> ()
    return
  }
}

#map = affine_map<(d0, d1) -> (0)>
#map1 = affine_map<(d0, d1) -> (0, 0, 0)>
module attributes {stable_mosaic.version = 14 : i64} {
  func.func @_deg_body(%arg0: i32, %arg1: i32, %arg2: memref<323584xi32, #tpu.memory_space<hbm>>, %arg3: memref<2x10240x16xf32, #tpu.memory_space<hbm>>, %arg4: memref<128x16xf32, #tpu.memory_space<vmem>>, %arg5: memref<128xi32, #tpu.memory_space<vmem>>, %arg6: memref<10240x16xf32, #tpu.memory_space<vmem_shared>>) attributes {dimension_semantics = [#tpu.dimension_semantics<core_parallel>, #tpu.dimension_semantics<subcore_parallel>], iteration_bounds = array<i64: 2, 16>, scalar_prefetch = 0 : i64, scratch_operands = 3 : i64, tpu.core_type = #tpu.core_type<sc_vector_subcore>, window_params = [{transform_indices = #map}, {transform_indices = #map1}]} {
    %mul3A = arith.constant 16 : i32
    %mul3A_0 = arith.muli %arg0, %mul3A : i32
    %add3A = arith.addi %mul3A_0, %arg1 : i32
    %scan3A = arith.constant 0 : i32
    %scan3A_1 = arith.constant 0 : i32
    %scan3A_2 = arith.constant 128 : i32
    %scan3A_3 = arith.addi %scan3A_1, %scan3A_2 : i32
    %scan3A_4 = arith.constant 1 : i32
    scf.for %scan3A_43 = %scan3A_1 to %scan3A_3 step %scan3A_4  : i32 {
      %broadcast_in_dim3A = arith.constant 0.000000e+00 : f32
      %broadcast_in_dim3A_44 = vector.broadcast %broadcast_in_dim3A : f32 to vector<16xf32>
      %swap3A = arith.index_cast %scan3A_43 : i32 to index
      %swap3A_45 = arith.constant 0 : index
      %swap3A_46 = tpu.vector_load %arg4[%swap3A, %swap3A_45] {strides = array<i32>} : memref<128x16xf32, #tpu.memory_space<vmem>>, vector<1x16xf32>,
      %swap3A_47 = vector.shape_cast %swap3A_46 : vector<1x16xf32> to vector<16xf32>
      %swap3A_48 = vector.shape_cast %broadcast_in_dim3A_44 : vector<16xf32> to vector<1x16xf32>
      tpu.vector_store %arg4[%swap3A, %swap3A_45], %swap3A_48 {strides = array<i32>} : memref<128x16xf32, #tpu.memory_space<vmem>>, vector<1x16xf32>,
    }
    %scan3A_5 = arith.constant 128 : i32
    %mul3A_6 = arith.constant 640 : i32
    %mul3A_7 = arith.muli %arg1, %mul3A_6 : i32
    %add3A_8 = arith.constant 0 : i32
    %add3A_9 = arith.addi %mul3A_7, %add3A_8 : i32
    "tpu.region"() ({
      %run_scoped3A = tpu.sem_alloc : memref<!tpu.dma_semaphore, #tpu.memory_space<semaphore_mem>>
      %dma_start3A = arith.constant 0 : i32
      %dma_start3A_43 = tpu.memref_slice %arg6[%add3A_9, %dma_start3A] : memref<10240x16xf32, #tpu.memory_space<vmem_shared>> -> memref<128x16xf32, #tpu.memory_space<vmem_shared>>
      %dma_start3A_44 = arith.constant 0 : i32
      %dma_start3A_45 = tpu.memref_slice %arg6[%add3A_9, %dma_start3A_44] : memref<10240x16xf32, #tpu.memory_space<vmem_shared>> -> memref<128x16xf32, #tpu.memory_space<vmem_shared>>
      tpu.enqueue_dma source(%arg4 : memref<128x16xf32, #tpu.memory_space<vmem>>) target(%dma_start3A_45 : memref<128x16xf32, #tpu.memory_space<vmem_shared>>) target_semaphore(%run_scoped3A : memref<!tpu.dma_semaphore, #tpu.memory_space<semaphore_mem>>)
      %dma_wait3A = arith.constant 0 : i32
      %dma_wait3A_46 = tpu.memref_slice %arg6[%add3A_9, %dma_wait3A] : memref<10240x16xf32, #tpu.memory_space<vmem_shared>> -> memref<128x16xf32, #tpu.memory_space<vmem_shared>>
      %dma_wait3A_47 = arith.constant 0 : i32
      %dma_wait3A_48 = tpu.memref_slice %arg6[%add3A_9, %dma_wait3A_47] : memref<10240x16xf32, #tpu.memory_space<vmem_shared>> -> memref<128x16xf32, #tpu.memory_space<vmem_shared>>
      tpu.wait_dma2 semaphore(%run_scoped3A : memref<!tpu.dma_semaphore, #tpu.memory_space<semaphore_mem>>) src(%arg4 : memref<128x16xf32, #tpu.memory_space<vmem>>) dst(%dma_wait3A_48 : memref<128x16xf32, #tpu.memory_space<vmem_shared>>)
      tpu.yield
    }) : () -> ()
    %mul3A_10 = arith.constant 640 : i32
    %mul3A_11 = arith.muli %arg1, %mul3A_10 : i32
    %add3A_12 = arith.constant 128 : i32
    %add3A_13 = arith.addi %mul3A_11, %add3A_12 : i32
    "tpu.region"() ({
      %run_scoped3A = tpu.sem_alloc : memref<!tpu.dma_semaphore, #tpu.memory_space<semaphore_mem>>
      %dma_start3A = arith.constant 0 : i32
      %dma_start3A_43 = tpu.memref_slice %arg6[%add3A_13, %dma_start3A] : memref<10240x16xf32, #tpu.memory_space<vmem_shared>> -> memref<128x16xf32, #tpu.memory_space<vmem_shared>>
      %dma_start3A_44 = arith.constant 0 : i32
      %dma_start3A_45 = tpu.memref_slice %arg6[%add3A_13, %dma_start3A_44] : memref<10240x16xf32, #tpu.memory_space<vmem_shared>> -> memref<128x16xf32, #tpu.memory_space<vmem_shared>>
      tpu.enqueue_dma source(%arg4 : memref<128x16xf32, #tpu.memory_space<vmem>>) target(%dma_start3A_45 : memref<128x16xf32, #tpu.memory_space<vmem_shared>>) target_semaphore(%run_scoped3A : memref<!tpu.dma_semaphore, #tpu.memory_space<semaphore_mem>>)
      %dma_wait3A = arith.constant 0 : i32
      %dma_wait3A_46 = tpu.memref_slice %arg6[%add3A_13, %dma_wait3A] : memref<10240x16xf32, #tpu.memory_space<vmem_shared>> -> memref<128x16xf32, #tpu.memory_space<vmem_shared>>
      %dma_wait3A_47 = arith.constant 0 : i32
      %dma_wait3A_48 = tpu.memref_slice %arg6[%add3A_13, %dma_wait3A_47] : memref<10240x16xf32, #tpu.memory_space<vmem_shared>> -> memref<128x16xf32, #tpu.memory_space<vmem_shared>>
      tpu.wait_dma2 semaphore(%run_scoped3A : memref<!tpu.dma_semaphore, #tpu.memory_space<semaphore_mem>>) src(%arg4 : memref<128x16xf32, #tpu.memory_space<vmem>>) dst(%dma_wait3A_48 : memref<128x16xf32, #tpu.memory_space<vmem_shared>>)
      tpu.yield
    }) : () -> ()
    %mul3A_14 = arith.constant 640 : i32
    %mul3A_15 = arith.muli %arg1, %mul3A_14 : i32
    %add3A_16 = arith.constant 256 : i32
    %add3A_17 = arith.addi %mul3A_15, %add3A_16 : i32
    "tpu.region"() ({
      %run_scoped3A = tpu.sem_alloc : memref<!tpu.dma_semaphore, #tpu.memory_space<semaphore_mem>>
      %dma_start3A = arith.constant 0 : i32
      %dma_start3A_43 = tpu.memref_slice %arg6[%add3A_17, %dma_start3A] : memref<10240x16xf32, #tpu.memory_space<vmem_shared>> -> memref<128x16xf32, #tpu.memory_space<vmem_shared>>
      %dma_start3A_44 = arith.constant 0 : i32
      %dma_start3A_45 = tpu.memref_slice %arg6[%add3A_17, %dma_start3A_44] : memref<10240x16xf32, #tpu.memory_space<vmem_shared>> -> memref<128x16xf32, #tpu.memory_space<vmem_shared>>
      tpu.enqueue_dma source(%arg4 : memref<128x16xf32, #tpu.memory_space<vmem>>) target(%dma_start3A_45 : memref<128x16xf32, #tpu.memory_space<vmem_shared>>) target_semaphore(%run_scoped3A : memref<!tpu.dma_semaphore, #tpu.memory_space<semaphore_mem>>)
      %dma_wait3A = arith.constant 0 : i32
      %dma_wait3A_46 = tpu.memref_slice %arg6[%add3A_17, %dma_wait3A] : memref<10240x16xf32, #tpu.memory_space<vmem_shared>> -> memref<128x16xf32, #tpu.memory_space<vmem_shared>>
      %dma_wait3A_47 = arith.constant 0 : i32
      %dma_wait3A_48 = tpu.memref_slice %arg6[%add3A_17, %dma_wait3A_47] : memref<10240x16xf32, #tpu.memory_space<vmem_shared>> -> memref<128x16xf32, #tpu.memory_space<vmem_shared>>
      tpu.wait_dma2 semaphore(%run_scoped3A : memref<!tpu.dma_semaphore, #tpu.memory_space<semaphore_mem>>) src(%arg4 : memref<128x16xf32, #tpu.memory_space<vmem>>) dst(%dma_wait3A_48 : memref<128x16xf32, #tpu.memory_space<vmem_shared>>)
      tpu.yield
    }) : () -> ()
    %mul3A_18 = arith.constant 640 : i32
    %mul3A_19 = arith.muli %arg1, %mul3A_18 : i32
    %add3A_20 = arith.constant 384 : i32
    %add3A_21 = arith.addi %mul3A_19, %add3A_20 : i32
    "tpu.region"() ({
      %run_scoped3A = tpu.sem_alloc : memref<!tpu.dma_semaphore, #tpu.memory_space<semaphore_mem>>
      %dma_start3A = arith.constant 0 : i32
      %dma_start3A_43 = tpu.memref_slice %arg6[%add3A_21, %dma_start3A] : memref<10240x16xf32, #tpu.memory_space<vmem_shared>> -> memref<128x16xf32, #tpu.memory_space<vmem_shared>>
      %dma_start3A_44 = arith.constant 0 : i32
      %dma_start3A_45 = tpu.memref_slice %arg6[%add3A_21, %dma_start3A_44] : memref<10240x16xf32, #tpu.memory_space<vmem_shared>> -> memref<128x16xf32, #tpu.memory_space<vmem_shared>>
      tpu.enqueue_dma source(%arg4 : memref<128x16xf32, #tpu.memory_space<vmem>>) target(%dma_start3A_45 : memref<128x16xf32, #tpu.memory_space<vmem_shared>>) target_semaphore(%run_scoped3A : memref<!tpu.dma_semaphore, #tpu.memory_space<semaphore_mem>>)
      %dma_wait3A = arith.constant 0 : i32
      %dma_wait3A_46 = tpu.memref_slice %arg6[%add3A_21, %dma_wait3A] : memref<10240x16xf32, #tpu.memory_space<vmem_shared>> -> memref<128x16xf32, #tpu.memory_space<vmem_shared>>
      %dma_wait3A_47 = arith.constant 0 : i32
      %dma_wait3A_48 = tpu.memref_slice %arg6[%add3A_21, %dma_wait3A_47] : memref<10240x16xf32, #tpu.memory_space<vmem_shared>> -> memref<128x16xf32, #tpu.memory_space<vmem_shared>>
      tpu.wait_dma2 semaphore(%run_scoped3A : memref<!tpu.dma_semaphore, #tpu.memory_space<semaphore_mem>>) src(%arg4 : memref<128x16xf32, #tpu.memory_space<vmem>>) dst(%dma_wait3A_48 : memref<128x16xf32, #tpu.memory_space<vmem_shared>>)
      tpu.yield
    }) : () -> ()
    %mul3A_22 = arith.constant 640 : i32
    %mul3A_23 = arith.muli %arg1, %mul3A_22 : i32
    %add3A_24 = arith.constant 512 : i32
    %add3A_25 = arith.addi %mul3A_23, %add3A_24 : i32
    "tpu.region"() ({
      %run_scoped3A = tpu.sem_alloc : memref<!tpu.dma_semaphore, #tpu.memory_space<semaphore_mem>>
      %dma_start3A = arith.constant 0 : i32
      %dma_start3A_43 = tpu.memref_slice %arg6[%add3A_25, %dma_start3A] : memref<10240x16xf32, #tpu.memory_space<vmem_shared>> -> memref<128x16xf32, #tpu.memory_space<vmem_shared>>
      %dma_start3A_44 = arith.constant 0 : i32
      %dma_start3A_45 = tpu.memref_slice %arg6[%add3A_25, %dma_start3A_44] : memref<10240x16xf32, #tpu.memory_space<vmem_shared>> -> memref<128x16xf32, #tpu.memory_space<vmem_shared>>
      tpu.enqueue_dma source(%arg4 : memref<128x16xf32, #tpu.memory_space<vmem>>) target(%dma_start3A_45 : memref<128x16xf32, #tpu.memory_space<vmem_shared>>) target_semaphore(%run_scoped3A : memref<!tpu.dma_semaphore, #tpu.memory_space<semaphore_mem>>)
      %dma_wait3A = arith.constant 0 : i32
      %dma_wait3A_46 = tpu.memref_slice %arg6[%add3A_25, %dma_wait3A] : memref<10240x16xf32, #tpu.memory_space<vmem_shared>> -> memref<128x16xf32, #tpu.memory_space<vmem_shared>>
      %dma_wait3A_47 = arith.constant 0 : i32
      %dma_wait3A_48 = tpu.memref_slice %arg6[%add3A_25, %dma_wait3A_47] : memref<10240x16xf32, #tpu.memory_space<vmem_shared>> -> memref<128x16xf32, #tpu.memory_space<vmem_shared>>
      tpu.wait_dma2 semaphore(%run_scoped3A : memref<!tpu.dma_semaphore, #tpu.memory_space<semaphore_mem>>) src(%arg4 : memref<128x16xf32, #tpu.memory_space<vmem>>) dst(%dma_wait3A_48 : memref<128x16xf32, #tpu.memory_space<vmem_shared>>)
      tpu.yield
    }) : () -> ()
    %scan3A_26 = arith.constant 0 : i32
    %scan3A_27 = arith.constant 0 : i32
    %scan3A_28 = arith.constant 128 : i32
    %scan3A_29 = arith.addi %scan3A_27, %scan3A_28 : i32
    %scan3A_30 = arith.constant 1 : i32
    scf.for %scan3A_43 = %scan3A_27 to %scan3A_29 step %scan3A_30  : i32 {
      %broadcast_in_dim3A = arith.constant 1.000000e+00 : f32
      %broadcast_in_dim3A_44 = vector.broadcast %broadcast_in_dim3A : f32 to vector<16xf32>
      %swap3A = arith.index_cast %scan3A_43 : i32 to index
      %swap3A_45 = arith.constant 0 : index
      %swap3A_46 = tpu.vector_load %arg4[%swap3A, %swap3A_45] {strides = array<i32>} : memref<128x16xf32, #tpu.memory_space<vmem>>, vector<1x16xf32>,
      %swap3A_47 = vector.shape_cast %swap3A_46 : vector<1x16xf32> to vector<16xf32>
      %swap3A_48 = vector.shape_cast %broadcast_in_dim3A_44 : vector<16xf32> to vector<1x16xf32>
      tpu.vector_store %arg4[%swap3A, %swap3A_45], %swap3A_48 {strides = array<i32>} : memref<128x16xf32, #tpu.memory_space<vmem>>, vector<1x16xf32>,
    }
    %scan3A_31 = arith.constant 128 : i32
    %barrier3A = arith.constant 0 : index
    tpu.barrier barrier_id(%barrier3A)
    %scan3A_32 = arith.constant 0 : i32
    %scan3A_33 = arith.constant 0 : i32
    %scan3A_34 = arith.constant 79 : i32
    %scan3A_35 = arith.addi %scan3A_33, %scan3A_34 : i32
    %scan3A_36 = arith.constant 1 : i32
    scf.for %scan3A_43 = %scan3A_33 to %scan3A_35 step %scan3A_36  : i32 {
      %mul3A_44 = arith.constant 10112 : i32
      %mul3A_45 = arith.muli %add3A, %mul3A_44 : i32
      %mul3A_46 = arith.constant 128 : i32
      %mul3A_47 = arith.muli %scan3A_43, %mul3A_46 : i32
      %add3A_48 = arith.addi %mul3A_45, %mul3A_47 : i32
      %multiple_of3A = tpu.assume_multiple %add3A_48, 8 : i32
      "tpu.region"() ({
        %run_scoped3A = tpu.sem_alloc : memref<!tpu.dma_semaphore, #tpu.memory_space<semaphore_mem>>
        %dma_start3A = tpu.memref_slice %arg2[%multiple_of3A] : memref<323584xi32, #tpu.memory_space<hbm>> -> memref<128xi32, #tpu.memory_space<hbm>>
        %dma_start3A_49 = tpu.memref_slice %arg2[%multiple_of3A] : memref<323584xi32, #tpu.memory_space<hbm>> -> memref<128xi32, #tpu.memory_space<hbm>>
        tpu.enqueue_dma source(%dma_start3A_49 : memref<128xi32, #tpu.memory_space<hbm>>) target(%arg5 : memref<128xi32, #tpu.memory_space<vmem>>) target_semaphore(%run_scoped3A : memref<!tpu.dma_semaphore, #tpu.memory_space<semaphore_mem>>)
        %dma_wait3A = tpu.memref_slice %arg2[%multiple_of3A] : memref<323584xi32, #tpu.memory_space<hbm>> -> memref<128xi32, #tpu.memory_space<hbm>>
        %dma_wait3A_50 = tpu.memref_slice %arg2[%multiple_of3A] : memref<323584xi32, #tpu.memory_space<hbm>> -> memref<128xi32, #tpu.memory_space<hbm>>
        tpu.wait_dma2 semaphore(%run_scoped3A : memref<!tpu.dma_semaphore, #tpu.memory_space<semaphore_mem>>) src(%dma_wait3A_50 : memref<128xi32, #tpu.memory_space<hbm>>) dst(%arg5 : memref<128xi32, #tpu.memory_space<vmem>>)
        tpu.yield
      }) : () -> ()
      "tpu.region"() ({
        %run_scoped3A = tpu.sem_alloc : memref<!tpu.dma_semaphore, #tpu.memory_space<semaphore_mem>>
        %dma_start3A = arith.constant 0 : i32
        %dma_start3A_49 = arith.constant 0 : i32
        %dma_start3A_50 = tpu.memref_slice %arg6[%dma_start3A, %dma_start3A_49] : memref<10240x16xf32, #tpu.memory_space<vmem_shared>> -> memref<10240x16xf32, #tpu.memory_space<vmem_shared>>
        tpu.enqueue_indirect_dma source(%arg4 : memref<128x16xf32, #tpu.memory_space<vmem>>) target(%dma_start3A_50 : memref<10240x16xf32, #tpu.memory_space<vmem_shared>>) offsets(%arg5 : memref<128xi32, #tpu.memory_space<vmem>>) semaphore(%run_scoped3A : memref<!tpu.dma_semaphore, #tpu.memory_space<semaphore_mem>>) {add = true}
        %dma_wait3A = arith.constant 0 : i32
        %dma_wait3A_51 = arith.constant 0 : i32
        %dma_wait3A_52 = tpu.memref_slice %arg6[%dma_wait3A, %dma_wait3A_51] : memref<10240x16xf32, #tpu.memory_space<vmem_shared>> -> memref<10240x16xf32, #tpu.memory_space<vmem_shared>>
        tpu.wait_indirect_dma semaphore(%run_scoped3A : memref<!tpu.dma_semaphore, #tpu.memory_space<semaphore_mem>>) src(%arg4 : memref<128x16xf32, #tpu.memory_space<vmem>>) dst(%dma_wait3A_52 : memref<10240x16xf32, #tpu.memory_space<vmem_shared>>)
        tpu.yield
      }) : () -> ()
    }
    %scan3A_37 = arith.constant 79 : i32
    %barrier3A_38 = arith.constant 0 : index
    tpu.barrier barrier_id(%barrier3A_38)
    %mul3A_39 = arith.constant 640 : i32
    %mul3A_40 = arith.muli %arg1, %mul3A_39 : i32
    %mul3A_41 = arith.constant 640 : i32
    %mul3A_42 = arith.muli %arg1, %mul3A_41 : i32
    "tpu.region"() ({
      %run_scoped3A = tpu.sem_alloc : memref<!tpu.dma_semaphore, #tpu.memory_space<semaphore_mem>>
      %dma_start3A = arith.constant 0 : i32
      %dma_start3A_43 = tpu.memref_slice %arg3[%arg0, %mul3A_42, %dma_start3A] : memref<2x10240x16xf32, #tpu.memory_space<hbm>> -> memref<1x640x16xf32, #tpu.memory_space<hbm>>
      %dma_start3A_44 = tpu.memref_squeeze %dma_start3A_43 : memref<1x640x16xf32, #tpu.memory_space<hbm>> -> memref<640x16xf32, #tpu.memory_space<hbm>>
      %dma_start3A_45 = arith.constant 0 : i32
      %dma_start3A_46 = tpu.memref_slice %arg6[%mul3A_40, %dma_start3A_45] : memref<10240x16xf32, #tpu.memory_space<vmem_shared>> -> memref<640x16xf32, #tpu.memory_space<vmem_shared>>
      tpu.enqueue_dma source(%dma_start3A_46 : memref<640x16xf32, #tpu.memory_space<vmem_shared>>) target(%dma_start3A_44 : memref<640x16xf32, #tpu.memory_space<hbm>>) target_semaphore(%run_scoped3A : memref<!tpu.dma_semaphore, #tpu.memory_space<semaphore_mem>>)
      %dma_wait3A = arith.constant 0 : i32
      %dma_wait3A_47 = tpu.memref_slice %arg3[%arg0, %mul3A_42, %dma_wait3A] : memref<2x10240x16xf32, #tpu.memory_space<hbm>> -> memref<1x640x16xf32, #tpu.memory_space<hbm>>
      %dma_wait3A_48 = tpu.memref_squeeze %dma_wait3A_47 : memref<1x640x16xf32, #tpu.memory_space<hbm>> -> memref<640x16xf32, #tpu.memory_space<hbm>>
      %dma_wait3A_49 = arith.constant 0 : i32
      %dma_wait3A_50 = tpu.memref_slice %arg6[%mul3A_40, %dma_wait3A_49] : memref<10240x16xf32, #tpu.memory_space<vmem_shared>> -> memref<640x16xf32, #tpu.memory_space<vmem_shared>>
      tpu.wait_dma2 semaphore(%run_scoped3A : memref<!tpu.dma_semaphore, #tpu.memory_space<semaphore_mem>>) src(%dma_wait3A_50 : memref<640x16xf32, #tpu.memory_space<vmem_shared>>) dst(%dma_wait3A_48 : memref<640x16xf32, #tpu.memory_space<hbm>>)
      tpu.yield
    }) : () -> ()
    return
  }
}

#map = affine_map<(d0, d1) -> (0)>
#map1 = affine_map<(d0, d1) -> (0, 0)>
#map2 = affine_map<(d0, d1) -> (0, 0, 0)>
module attributes {stable_mosaic.version = 14 : i64} {
  func.func @_agg_body(%arg0: i32, %arg1: i32, %arg2: memref<323584xi32, #tpu.memory_space<hbm>>, %arg3: memref<323584xi32, #tpu.memory_space<hbm>>, %arg4: memref<10000x128xf32, #tpu.memory_space<hbm>>, %arg5: memref<2x10240x128xf32, #tpu.memory_space<hbm>>, %arg6: memref<128xi32, #tpu.memory_space<vmem>>, %arg7: memref<128xi32, #tpu.memory_space<vmem>>, %arg8: memref<128x128xf32, #tpu.memory_space<vmem>>, %arg9: memref<10240x128xf32, #tpu.memory_space<vmem_shared>>, %arg10: memref<!tpu.dma_semaphore, #tpu.memory_space<semaphore_mem>>) attributes {dimension_semantics = [#tpu.dimension_semantics<core_parallel>, #tpu.dimension_semantics<subcore_parallel>], iteration_bounds = array<i64: 2, 16>, scalar_prefetch = 0 : i64, scratch_operands = 5 : i64, tpu.core_type = #tpu.core_type<sc_vector_subcore>, window_params = [{transform_indices = #map}, {transform_indices = #map}, {transform_indices = #map1}, {transform_indices = #map2}]} {
    %mul3A = arith.constant 16 : i32
    %mul3A_0 = arith.muli %arg0, %mul3A : i32
    %add3A = arith.addi %mul3A_0, %arg1 : i32
    %scan3A = arith.constant 0 : i32
    %scan3A_1 = arith.constant 0 : i32
    %scan3A_2 = arith.constant 128 : i32
    %scan3A_3 = arith.addi %scan3A_1, %scan3A_2 : i32
    %scan3A_4 = arith.constant 1 : i32
    scf.for %scan3A_37 = %scan3A_1 to %scan3A_3 step %scan3A_4  : i32 {
      %scan3A_38 = arith.constant 0 : i32
      %scan3A_39 = arith.constant 8 : i32
      %scan3A_40 = arith.addi %scan3A_38, %scan3A_39 : i32
      %scan3A_41 = arith.constant 1 : i32
      scf.for %scan3A_43 = %scan3A_38 to %scan3A_40 step %scan3A_41  : i32 {
        %broadcast_in_dim3A = arith.constant 0.000000e+00 : f32
        %broadcast_in_dim3A_44 = vector.broadcast %broadcast_in_dim3A : f32 to vector<16xf32>
        %mul3A_45 = arith.constant 16 : i32
        %mul3A_46 = arith.muli %scan3A_43, %mul3A_45 : i32
        %multiple_of3A = tpu.assume_multiple %mul3A_46, 16 : i32
        %swap3A = arith.index_cast %scan3A_37 : i32 to index
        %swap3A_47 = arith.index_cast %multiple_of3A : i32 to index
        %swap3A_48 = tpu.vector_load %arg8[%swap3A, %swap3A_47] {strides = array<i32>} : memref<128x128xf32, #tpu.memory_space<vmem>>, vector<1x16xf32>,
        %swap3A_49 = vector.shape_cast %swap3A_48 : vector<1x16xf32> to vector<16xf32>
        %swap3A_50 = vector.shape_cast %broadcast_in_dim3A_44 : vector<16xf32> to vector<1x16xf32>
        tpu.vector_store %arg8[%swap3A, %swap3A_47], %swap3A_50 {strides = array<i32>} : memref<128x128xf32, #tpu.memory_space<vmem>>, vector<1x16xf32>,
      }
      %scan3A_42 = arith.constant 8 : i32
    }
    %scan3A_5 = arith.constant 128 : i32
    %mul3A_6 = arith.constant 640 : i32
    %mul3A_7 = arith.muli %arg1, %mul3A_6 : i32
    %add3A_8 = arith.constant 0 : i32
    %add3A_9 = arith.addi %mul3A_7, %add3A_8 : i32
    "tpu.region"() ({
      %run_scoped3A = tpu.sem_alloc : memref<!tpu.dma_semaphore, #tpu.memory_space<semaphore_mem>>
      %dma_start3A = arith.constant 0 : i32
      %dma_start3A_37 = tpu.memref_slice %arg9[%add3A_9, %dma_start3A] : memref<10240x128xf32, #tpu.memory_space<vmem_shared>> -> memref<128x128xf32, #tpu.memory_space<vmem_shared>>
      %dma_start3A_38 = arith.constant 0 : i32
      %dma_start3A_39 = tpu.memref_slice %arg9[%add3A_9, %dma_start3A_38] : memref<10240x128xf32, #tpu.memory_space<vmem_shared>> -> memref<128x128xf32, #tpu.memory_space<vmem_shared>>
      tpu.enqueue_dma source(%arg8 : memref<128x128xf32, #tpu.memory_space<vmem>>) target(%dma_start3A_39 : memref<128x128xf32, #tpu.memory_space<vmem_shared>>) target_semaphore(%run_scoped3A : memref<!tpu.dma_semaphore, #tpu.memory_space<semaphore_mem>>)
      %dma_wait3A = arith.constant 0 : i32
      %dma_wait3A_40 = tpu.memref_slice %arg9[%add3A_9, %dma_wait3A] : memref<10240x128xf32, #tpu.memory_space<vmem_shared>> -> memref<128x128xf32, #tpu.memory_space<vmem_shared>>
      %dma_wait3A_41 = arith.constant 0 : i32
      %dma_wait3A_42 = tpu.memref_slice %arg9[%add3A_9, %dma_wait3A_41] : memref<10240x128xf32, #tpu.memory_space<vmem_shared>> -> memref<128x128xf32, #tpu.memory_space<vmem_shared>>
      tpu.wait_dma2 semaphore(%run_scoped3A : memref<!tpu.dma_semaphore, #tpu.memory_space<semaphore_mem>>) src(%arg8 : memref<128x128xf32, #tpu.memory_space<vmem>>) dst(%dma_wait3A_42 : memref<128x128xf32, #tpu.memory_space<vmem_shared>>)
      tpu.yield
    }) : () -> ()
    %mul3A_10 = arith.constant 640 : i32
    %mul3A_11 = arith.muli %arg1, %mul3A_10 : i32
    %add3A_12 = arith.constant 128 : i32
    %add3A_13 = arith.addi %mul3A_11, %add3A_12 : i32
    "tpu.region"() ({
      %run_scoped3A = tpu.sem_alloc : memref<!tpu.dma_semaphore, #tpu.memory_space<semaphore_mem>>
      %dma_start3A = arith.constant 0 : i32
      %dma_start3A_37 = tpu.memref_slice %arg9[%add3A_13, %dma_start3A] : memref<10240x128xf32, #tpu.memory_space<vmem_shared>> -> memref<128x128xf32, #tpu.memory_space<vmem_shared>>
      %dma_start3A_38 = arith.constant 0 : i32
      %dma_start3A_39 = tpu.memref_slice %arg9[%add3A_13, %dma_start3A_38] : memref<10240x128xf32, #tpu.memory_space<vmem_shared>> -> memref<128x128xf32, #tpu.memory_space<vmem_shared>>
      tpu.enqueue_dma source(%arg8 : memref<128x128xf32, #tpu.memory_space<vmem>>) target(%dma_start3A_39 : memref<128x128xf32, #tpu.memory_space<vmem_shared>>) target_semaphore(%run_scoped3A : memref<!tpu.dma_semaphore, #tpu.memory_space<semaphore_mem>>)
      %dma_wait3A = arith.constant 0 : i32
      %dma_wait3A_40 = tpu.memref_slice %arg9[%add3A_13, %dma_wait3A] : memref<10240x128xf32, #tpu.memory_space<vmem_shared>> -> memref<128x128xf32, #tpu.memory_space<vmem_shared>>
      %dma_wait3A_41 = arith.constant 0 : i32
      %dma_wait3A_42 = tpu.memref_slice %arg9[%add3A_13, %dma_wait3A_41] : memref<10240x128xf32, #tpu.memory_space<vmem_shared>> -> memref<128x128xf32, #tpu.memory_space<vmem_shared>>
      tpu.wait_dma2 semaphore(%run_scoped3A : memref<!tpu.dma_semaphore, #tpu.memory_space<semaphore_mem>>) src(%arg8 : memref<128x128xf32, #tpu.memory_space<vmem>>) dst(%dma_wait3A_42 : memref<128x128xf32, #tpu.memory_space<vmem_shared>>)
      tpu.yield
    }) : () -> ()
    %mul3A_14 = arith.constant 640 : i32
    %mul3A_15 = arith.muli %arg1, %mul3A_14 : i32
    %add3A_16 = arith.constant 256 : i32
    %add3A_17 = arith.addi %mul3A_15, %add3A_16 : i32
    "tpu.region"() ({
      %run_scoped3A = tpu.sem_alloc : memref<!tpu.dma_semaphore, #tpu.memory_space<semaphore_mem>>
      %dma_start3A = arith.constant 0 : i32
      %dma_start3A_37 = tpu.memref_slice %arg9[%add3A_17, %dma_start3A] : memref<10240x128xf32, #tpu.memory_space<vmem_shared>> -> memref<128x128xf32, #tpu.memory_space<vmem_shared>>
      %dma_start3A_38 = arith.constant 0 : i32
      %dma_start3A_39 = tpu.memref_slice %arg9[%add3A_17, %dma_start3A_38] : memref<10240x128xf32, #tpu.memory_space<vmem_shared>> -> memref<128x128xf32, #tpu.memory_space<vmem_shared>>
      tpu.enqueue_dma source(%arg8 : memref<128x128xf32, #tpu.memory_space<vmem>>) target(%dma_start3A_39 : memref<128x128xf32, #tpu.memory_space<vmem_shared>>) target_semaphore(%run_scoped3A : memref<!tpu.dma_semaphore, #tpu.memory_space<semaphore_mem>>)
      %dma_wait3A = arith.constant 0 : i32
      %dma_wait3A_40 = tpu.memref_slice %arg9[%add3A_17, %dma_wait3A] : memref<10240x128xf32, #tpu.memory_space<vmem_shared>> -> memref<128x128xf32, #tpu.memory_space<vmem_shared>>
      %dma_wait3A_41 = arith.constant 0 : i32
      %dma_wait3A_42 = tpu.memref_slice %arg9[%add3A_17, %dma_wait3A_41] : memref<10240x128xf32, #tpu.memory_space<vmem_shared>> -> memref<128x128xf32, #tpu.memory_space<vmem_shared>>
      tpu.wait_dma2 semaphore(%run_scoped3A : memref<!tpu.dma_semaphore, #tpu.memory_space<semaphore_mem>>) src(%arg8 : memref<128x128xf32, #tpu.memory_space<vmem>>) dst(%dma_wait3A_42 : memref<128x128xf32, #tpu.memory_space<vmem_shared>>)
      tpu.yield
    }) : () -> ()
    %mul3A_18 = arith.constant 640 : i32
    %mul3A_19 = arith.muli %arg1, %mul3A_18 : i32
    %add3A_20 = arith.constant 384 : i32
    %add3A_21 = arith.addi %mul3A_19, %add3A_20 : i32
    "tpu.region"() ({
      %run_scoped3A = tpu.sem_alloc : memref<!tpu.dma_semaphore, #tpu.memory_space<semaphore_mem>>
      %dma_start3A = arith.constant 0 : i32
      %dma_start3A_37 = tpu.memref_slice %arg9[%add3A_21, %dma_start3A] : memref<10240x128xf32, #tpu.memory_space<vmem_shared>> -> memref<128x128xf32, #tpu.memory_space<vmem_shared>>
      %dma_start3A_38 = arith.constant 0 : i32
      %dma_start3A_39 = tpu.memref_slice %arg9[%add3A_21, %dma_start3A_38] : memref<10240x128xf32, #tpu.memory_space<vmem_shared>> -> memref<128x128xf32, #tpu.memory_space<vmem_shared>>
      tpu.enqueue_dma source(%arg8 : memref<128x128xf32, #tpu.memory_space<vmem>>) target(%dma_start3A_39 : memref<128x128xf32, #tpu.memory_space<vmem_shared>>) target_semaphore(%run_scoped3A : memref<!tpu.dma_semaphore, #tpu.memory_space<semaphore_mem>>)
      %dma_wait3A = arith.constant 0 : i32
      %dma_wait3A_40 = tpu.memref_slice %arg9[%add3A_21, %dma_wait3A] : memref<10240x128xf32, #tpu.memory_space<vmem_shared>> -> memref<128x128xf32, #tpu.memory_space<vmem_shared>>
      %dma_wait3A_41 = arith.constant 0 : i32
      %dma_wait3A_42 = tpu.memref_slice %arg9[%add3A_21, %dma_wait3A_41] : memref<10240x128xf32, #tpu.memory_space<vmem_shared>> -> memref<128x128xf32, #tpu.memory_space<vmem_shared>>
      tpu.wait_dma2 semaphore(%run_scoped3A : memref<!tpu.dma_semaphore, #tpu.memory_space<semaphore_mem>>) src(%arg8 : memref<128x128xf32, #tpu.memory_space<vmem>>) dst(%dma_wait3A_42 : memref<128x128xf32, #tpu.memory_space<vmem_shared>>)
      tpu.yield
    }) : () -> ()
    %mul3A_22 = arith.constant 640 : i32
    %mul3A_23 = arith.muli %arg1, %mul3A_22 : i32
    %add3A_24 = arith.constant 512 : i32
    %add3A_25 = arith.addi %mul3A_23, %add3A_24 : i32
    "tpu.region"() ({
      %run_scoped3A = tpu.sem_alloc : memref<!tpu.dma_semaphore, #tpu.memory_space<semaphore_mem>>
      %dma_start3A = arith.constant 0 : i32
      %dma_start3A_37 = tpu.memref_slice %arg9[%add3A_25, %dma_start3A] : memref<10240x128xf32, #tpu.memory_space<vmem_shared>> -> memref<128x128xf32, #tpu.memory_space<vmem_shared>>
      %dma_start3A_38 = arith.constant 0 : i32
      %dma_start3A_39 = tpu.memref_slice %arg9[%add3A_25, %dma_start3A_38] : memref<10240x128xf32, #tpu.memory_space<vmem_shared>> -> memref<128x128xf32, #tpu.memory_space<vmem_shared>>
      tpu.enqueue_dma source(%arg8 : memref<128x128xf32, #tpu.memory_space<vmem>>) target(%dma_start3A_39 : memref<128x128xf32, #tpu.memory_space<vmem_shared>>) target_semaphore(%run_scoped3A : memref<!tpu.dma_semaphore, #tpu.memory_space<semaphore_mem>>)
      %dma_wait3A = arith.constant 0 : i32
      %dma_wait3A_40 = tpu.memref_slice %arg9[%add3A_25, %dma_wait3A] : memref<10240x128xf32, #tpu.memory_space<vmem_shared>> -> memref<128x128xf32, #tpu.memory_space<vmem_shared>>
      %dma_wait3A_41 = arith.constant 0 : i32
      %dma_wait3A_42 = tpu.memref_slice %arg9[%add3A_25, %dma_wait3A_41] : memref<10240x128xf32, #tpu.memory_space<vmem_shared>> -> memref<128x128xf32, #tpu.memory_space<vmem_shared>>
      tpu.wait_dma2 semaphore(%run_scoped3A : memref<!tpu.dma_semaphore, #tpu.memory_space<semaphore_mem>>) src(%arg8 : memref<128x128xf32, #tpu.memory_space<vmem>>) dst(%dma_wait3A_42 : memref<128x128xf32, #tpu.memory_space<vmem_shared>>)
      tpu.yield
    }) : () -> ()
    %barrier3A = arith.constant 0 : index
    tpu.barrier barrier_id(%barrier3A)
    %scan3A_26 = arith.constant 0 : i32
    %scan3A_27 = arith.constant 0 : i32
    %scan3A_28 = arith.constant 79 : i32
    %scan3A_29 = arith.addi %scan3A_27, %scan3A_28 : i32
    %scan3A_30 = arith.constant 1 : i32
    scf.for %scan3A_37 = %scan3A_27 to %scan3A_29 step %scan3A_30  : i32 {
      %mul3A_38 = arith.constant 10112 : i32
      %mul3A_39 = arith.muli %add3A, %mul3A_38 : i32
      %mul3A_40 = arith.constant 128 : i32
      %mul3A_41 = arith.muli %scan3A_37, %mul3A_40 : i32
      %add3A_42 = arith.addi %mul3A_39, %mul3A_41 : i32
      %multiple_of3A = tpu.assume_multiple %add3A_42, 8 : i32
      "tpu.region"() ({
        %run_scoped3A = tpu.sem_alloc : memref<!tpu.dma_semaphore, #tpu.memory_space<semaphore_mem>>
        %dma_start3A_47 = tpu.memref_slice %arg2[%multiple_of3A] : memref<323584xi32, #tpu.memory_space<hbm>> -> memref<128xi32, #tpu.memory_space<hbm>>
        %dma_start3A_48 = tpu.memref_slice %arg2[%multiple_of3A] : memref<323584xi32, #tpu.memory_space<hbm>> -> memref<128xi32, #tpu.memory_space<hbm>>
        tpu.enqueue_dma source(%dma_start3A_48 : memref<128xi32, #tpu.memory_space<hbm>>) target(%arg6 : memref<128xi32, #tpu.memory_space<vmem>>) target_semaphore(%run_scoped3A : memref<!tpu.dma_semaphore, #tpu.memory_space<semaphore_mem>>)
        %dma_wait3A_49 = tpu.memref_slice %arg2[%multiple_of3A] : memref<323584xi32, #tpu.memory_space<hbm>> -> memref<128xi32, #tpu.memory_space<hbm>>
        %dma_wait3A_50 = tpu.memref_slice %arg2[%multiple_of3A] : memref<323584xi32, #tpu.memory_space<hbm>> -> memref<128xi32, #tpu.memory_space<hbm>>
        tpu.wait_dma2 semaphore(%run_scoped3A : memref<!tpu.dma_semaphore, #tpu.memory_space<semaphore_mem>>) src(%dma_wait3A_50 : memref<128xi32, #tpu.memory_space<hbm>>) dst(%arg6 : memref<128xi32, #tpu.memory_space<vmem>>)
        tpu.yield
      }) : () -> ()
      "tpu.region"() ({
        %run_scoped3A = tpu.sem_alloc : memref<!tpu.dma_semaphore, #tpu.memory_space<semaphore_mem>>
        %dma_start3A_47 = tpu.memref_slice %arg3[%multiple_of3A] : memref<323584xi32, #tpu.memory_space<hbm>> -> memref<128xi32, #tpu.memory_space<hbm>>
        %dma_start3A_48 = tpu.memref_slice %arg3[%multiple_of3A] : memref<323584xi32, #tpu.memory_space<hbm>> -> memref<128xi32, #tpu.memory_space<hbm>>
        tpu.enqueue_dma source(%dma_start3A_48 : memref<128xi32, #tpu.memory_space<hbm>>) target(%arg7 : memref<128xi32, #tpu.memory_space<vmem>>) target_semaphore(%run_scoped3A : memref<!tpu.dma_semaphore, #tpu.memory_space<semaphore_mem>>)
        %dma_wait3A_49 = tpu.memref_slice %arg3[%multiple_of3A] : memref<323584xi32, #tpu.memory_space<hbm>> -> memref<128xi32, #tpu.memory_space<hbm>>
        %dma_wait3A_50 = tpu.memref_slice %arg3[%multiple_of3A] : memref<323584xi32, #tpu.memory_space<hbm>> -> memref<128xi32, #tpu.memory_space<hbm>>
        tpu.wait_dma2 semaphore(%run_scoped3A : memref<!tpu.dma_semaphore, #tpu.memory_space<semaphore_mem>>) src(%dma_wait3A_50 : memref<128xi32, #tpu.memory_space<hbm>>) dst(%arg7 : memref<128xi32, #tpu.memory_space<vmem>>)
        tpu.yield
      }) : () -> ()
      %dma_start3A = arith.constant 0 : i32
      %dma_start3A_43 = arith.constant 0 : i32
      %dma_start3A_44 = tpu.memref_slice %arg4[%dma_start3A, %dma_start3A_43] : memref<10000x128xf32, #tpu.memory_space<hbm>> -> memref<10000x128xf32, #tpu.memory_space<hbm>>
      tpu.enqueue_indirect_dma source(%dma_start3A_44 : memref<10000x128xf32, #tpu.memory_space<hbm>>) target(%arg8 : memref<128x128xf32, #tpu.memory_space<vmem>>) offsets(%arg6 : memref<128xi32, #tpu.memory_space<vmem>>) semaphore(%arg10 : memref<!tpu.dma_semaphore, #tpu.memory_space<semaphore_mem>>)
      %dma_wait3A = arith.constant 0 : i32
      %dma_wait3A_45 = arith.constant 0 : i32
      %dma_wait3A_46 = tpu.memref_slice %arg4[%dma_wait3A, %dma_wait3A_45] : memref<10000x128xf32, #tpu.memory_space<hbm>> -> memref<10000x128xf32, #tpu.memory_space<hbm>>
      tpu.wait_indirect_dma semaphore(%arg10 : memref<!tpu.dma_semaphore, #tpu.memory_space<semaphore_mem>>) src(%dma_wait3A_46 : memref<10000x128xf32, #tpu.memory_space<hbm>>) dst(%arg8 : memref<128x128xf32, #tpu.memory_space<vmem>>)
      "tpu.region"() ({
        %run_scoped3A = tpu.sem_alloc : memref<!tpu.dma_semaphore, #tpu.memory_space<semaphore_mem>>
        %dma_start3A_47 = arith.constant 0 : i32
        %dma_start3A_48 = arith.constant 0 : i32
        %dma_start3A_49 = tpu.memref_slice %arg9[%dma_start3A_47, %dma_start3A_48] : memref<10240x128xf32, #tpu.memory_space<vmem_shared>> -> memref<10240x128xf32, #tpu.memory_space<vmem_shared>>
        tpu.enqueue_indirect_dma source(%arg8 : memref<128x128xf32, #tpu.memory_space<vmem>>) target(%dma_start3A_49 : memref<10240x128xf32, #tpu.memory_space<vmem_shared>>) offsets(%arg7 : memref<128xi32, #tpu.memory_space<vmem>>) semaphore(%run_scoped3A : memref<!tpu.dma_semaphore, #tpu.memory_space<semaphore_mem>>) {add = true}
        %dma_wait3A_50 = arith.constant 0 : i32
        %dma_wait3A_51 = arith.constant 0 : i32
        %dma_wait3A_52 = tpu.memref_slice %arg9[%dma_wait3A_50, %dma_wait3A_51] : memref<10240x128xf32, #tpu.memory_space<vmem_shared>> -> memref<10240x128xf32, #tpu.memory_space<vmem_shared>>
        tpu.wait_indirect_dma semaphore(%run_scoped3A : memref<!tpu.dma_semaphore, #tpu.memory_space<semaphore_mem>>) src(%arg8 : memref<128x128xf32, #tpu.memory_space<vmem>>) dst(%dma_wait3A_52 : memref<10240x128xf32, #tpu.memory_space<vmem_shared>>)
        tpu.yield
      }) : () -> ()
    }
    %scan3A_31 = arith.constant 79 : i32
    %barrier3A_32 = arith.constant 0 : index
    tpu.barrier barrier_id(%barrier3A_32)
    %mul3A_33 = arith.constant 640 : i32
    %mul3A_34 = arith.muli %arg1, %mul3A_33 : i32
    %mul3A_35 = arith.constant 640 : i32
    %mul3A_36 = arith.muli %arg1, %mul3A_35 : i32
    "tpu.region"() ({
      %run_scoped3A = tpu.sem_alloc : memref<!tpu.dma_semaphore, #tpu.memory_space<semaphore_mem>>
      %dma_start3A = arith.constant 0 : i32
      %dma_start3A_37 = tpu.memref_slice %arg5[%arg0, %mul3A_36, %dma_start3A] : memref<2x10240x128xf32, #tpu.memory_space<hbm>> -> memref<1x640x128xf32, #tpu.memory_space<hbm>>
      %dma_start3A_38 = tpu.memref_squeeze %dma_start3A_37 : memref<1x640x128xf32, #tpu.memory_space<hbm>> -> memref<640x128xf32, #tpu.memory_space<hbm>>
      %dma_start3A_39 = arith.constant 0 : i32
      %dma_start3A_40 = tpu.memref_slice %arg9[%mul3A_34, %dma_start3A_39] : memref<10240x128xf32, #tpu.memory_space<vmem_shared>> -> memref<640x128xf32, #tpu.memory_space<vmem_shared>>
      tpu.enqueue_dma source(%dma_start3A_40 : memref<640x128xf32, #tpu.memory_space<vmem_shared>>) target(%dma_start3A_38 : memref<640x128xf32, #tpu.memory_space<hbm>>) target_semaphore(%run_scoped3A : memref<!tpu.dma_semaphore, #tpu.memory_space<semaphore_mem>>)
      %dma_wait3A = arith.constant 0 : i32
      %dma_wait3A_41 = tpu.memref_slice %arg5[%arg0, %mul3A_36, %dma_wait3A] : memref<2x10240x128xf32, #tpu.memory_space<hbm>> -> memref<1x640x128xf32, #tpu.memory_space<hbm>>
      %dma_wait3A_42 = tpu.memref_squeeze %dma_wait3A_41 : memref<1x640x128xf32, #tpu.memory_space<hbm>> -> memref<640x128xf32, #tpu.memory_space<hbm>>
      %dma_wait3A_43 = arith.constant 0 : i32
      %dma_wait3A_44 = tpu.memref_slice %arg9[%mul3A_34, %dma_wait3A_43] : memref<10240x128xf32, #tpu.memory_space<vmem_shared>> -> memref<640x128xf32, #tpu.memory_space<vmem_shared>>
      tpu.wait_dma2 semaphore(%run_scoped3A : memref<!tpu.dma_semaphore, #tpu.memory_space<semaphore_mem>>) src(%dma_wait3A_44 : memref<640x128xf32, #tpu.memory_space<vmem_shared>>) dst(%dma_wait3A_42 : memref<640x128xf32, #tpu.memory_space<hbm>>)
      tpu.yield
    }) : () -> ()
    return
  }
}

module attributes {stable_mosaic.version = 14 : i64} {
  func.func @_tc1_body(%arg0: i32, %arg1: memref<2000x128xf32, #tpu.memory_space<vmem>>, %arg2: memref<128x128xf32, #tpu.memory_space<vmem>>, %arg3: memref<1x2000x16xf32, #tpu.memory_space<vmem>>, %arg4: memref<1x2000x16xf32, #tpu.memory_space<vmem>>, %arg5: memref<2000x128xf32, #tpu.memory_space<vmem>>) attributes {dimension_semantics = [#tpu.dimension_semantics<arbitrary>], iteration_bounds = array<i64: 5>, scalar_prefetch = 0 : i64, scratch_operands = 0 : i64, tpu.core_type = #tpu.core_type<tc>, window_params = [{transform_indices = @transform_0, window_bounds = array<i64: 2000, 128>}, {pipeline_mode = #tpu.pipeline_mode<synchronous>, transform_indices = @transform_1, window_bounds = array<i64: 128, 128>}, {transform_indices = @transform_2, window_bounds = array<i64: 1, 2000, 16>}, {transform_indices = @transform_3, window_bounds = array<i64: 1, 2000, 16>}, {transform_indices = @transform_4, window_bounds = array<i64: 2000, 128>}]} {
    %get3A = arith.constant 0 : index
    %get3A_0 = arith.constant 0 : index
    %get3A_1 = arith.constant 0 : index
    %get3A_2 = vector.load %arg3[%get3A, %get3A_0, %get3A_1] : memref<1x2000x16xf32, #tpu.memory_space<vmem>>, vector<1x2000x1xf32>
    %get3A_3 = vector.shape_cast %get3A_2 : vector<1x2000x1xf32> to vector<2000x1xf32>
    %get3A_4 = arith.constant 0 : index
    %get3A_5 = arith.constant 0 : index
    %get3A_6 = arith.constant 0 : index
    %get3A_7 = vector.load %arg4[%get3A_4, %get3A_5, %get3A_6] : memref<1x2000x16xf32, #tpu.memory_space<vmem>>, vector<1x2000x1xf32>
    %get3A_8 = vector.shape_cast %get3A_7 : vector<1x2000x1xf32> to vector<2000x1xf32>
    %add3A = arith.addf %get3A_3, %get3A_8 : vector<2000x1xf32>
    %add3A_9 = arith.constant 1.000000e+00 : f32
    %add3A_10 = vector.broadcast %add3A_9 : f32 to vector<2000x1xf32>
    %add3A_11 = arith.addf %add3A, %add3A_10 : vector<2000x1xf32>
    %rsqrt3A = math.rsqrt %add3A_11 : vector<2000x1xf32>
    %get3A_12 = arith.constant 0 : index
    %get3A_13 = arith.constant 0 : index
    %get3A_14 = vector.load %arg1[%get3A_12, %get3A_13] : memref<2000x128xf32, #tpu.memory_space<vmem>>, vector<2000x128xf32>
    %get3A_15 = arith.constant 0 : index
    %get3A_16 = arith.constant 0 : index
    %get3A_17 = vector.load %arg2[%get3A_15, %get3A_16] : memref<128x128xf32, #tpu.memory_space<vmem>>, vector<128x128xf32>
    %dot_general3A = arith.constant dense<0.000000e+00> : vector<2000x128xf32>
    %dot_general3A_18 = tpu.matmul %get3A_14, %get3A_17, %dot_general3A {dimension_numbers = #tpu.dot_dimension_numbers<[1], [0], [0], [1], [0, 0, 1, 1], [], []>, transpose_lhs_hint = false} : vector<2000x128xf32>, vector<128x128xf32>, vector<2000x128xf32> -> vector<2000x128xf32>
    %mul3A = vector.broadcast %rsqrt3A : vector<2000x1xf32> to vector<2000x128xf32>
    %mul3A_19 = arith.mulf %dot_general3A_18, %mul3A : vector<2000x128xf32>
    %swap3A = arith.constant 0 : index
    %swap3A_20 = arith.constant 0 : index
    %swap3A_21 = vector.load %arg5[%swap3A, %swap3A_20] : memref<2000x128xf32, #tpu.memory_space<vmem>>, vector<2000x128xf32>
    tpu.vector_store %arg5[%swap3A, %swap3A_20], %mul3A_19 {strides = array<i32>} : memref<2000x128xf32, #tpu.memory_space<vmem>>, vector<2000x128xf32>,
    return
  }
  func.func @transform_0(%arg0: i32) -> (i32, i32) {
    %c0_i32 = arith.constant 0 : i32
    %c0_i32_0 = arith.constant 0 : i32
    return %arg0, %c0_i32 : i32, i32
  }
  func.func @transform_1(%arg0: i32) -> (i32, i32) {
    %c0_i32 = arith.constant 0 : i32
    %c0_i32_0 = arith.constant 0 : i32
    %c0_i32_1 = arith.constant 0 : i32
    return %c0_i32, %c0_i32_0 : i32, i32
  }
  func.func @transform_2(%arg0: i32) -> (i32, i32, i32) {
    %c0_i32 = arith.constant 0 : i32
    %c0_i32_0 = arith.constant 0 : i32
    %c0_i32_1 = arith.constant 0 : i32
    return %c0_i32, %arg0, %c0_i32_0 : i32, i32, i32
  }
  func.func @transform_3(%arg0: i32) -> (i32, i32, i32) {
    %c1_i32 = arith.constant 1 : i32
    %c0_i32 = arith.constant 0 : i32
    %c0_i32_0 = arith.constant 0 : i32
    return %c1_i32, %arg0, %c0_i32 : i32, i32, i32
  }
  func.func @transform_4(%arg0: i32) -> (i32, i32) {
    %c0_i32 = arith.constant 0 : i32
    %c0_i32_0 = arith.constant 0 : i32
    return %arg0, %c0_i32 : i32, i32
  }
}

module attributes {stable_mosaic.version = 14 : i64} {
  func.func @_tc2_body(%arg0: i32, %arg1: memref<1x2000x128xf32, #tpu.memory_space<vmem>>, %arg2: memref<1x2000x128xf32, #tpu.memory_space<vmem>>, %arg3: memref<2000x128xf32, #tpu.memory_space<vmem>>, %arg4: memref<1x2000x16xf32, #tpu.memory_space<vmem>>, %arg5: memref<1x2000x16xf32, #tpu.memory_space<vmem>>, %arg6: memref<128x128xf32, #tpu.memory_space<vmem>>, %arg7: memref<1x128xf32, #tpu.memory_space<vmem>>, %arg8: memref<2000x128xf32, #tpu.memory_space<vmem>>) attributes {dimension_semantics = [#tpu.dimension_semantics<arbitrary>], iteration_bounds = array<i64: 5>, scalar_prefetch = 0 : i64, scratch_operands = 0 : i64, tpu.core_type = #tpu.core_type<tc>, window_params = [{transform_indices = @transform_0, window_bounds = array<i64: 1, 2000, 128>}, {transform_indices = @transform_1, window_bounds = array<i64: 1, 2000, 128>}, {transform_indices = @transform_2, window_bounds = array<i64: 2000, 128>}, {transform_indices = @transform_3, window_bounds = array<i64: 1, 2000, 16>}, {transform_indices = @transform_4, window_bounds = array<i64: 1, 2000, 16>}, {pipeline_mode = #tpu.pipeline_mode<synchronous>, transform_indices = @transform_5, window_bounds = array<i64: 128, 128>}, {pipeline_mode = #tpu.pipeline_mode<synchronous>, transform_indices = @transform_6, window_bounds = array<i64: 1, 128>}, {transform_indices = @transform_7, window_bounds = array<i64: 2000, 128>}]} {
    %get3A = arith.constant 0 : index
    %get3A_0 = arith.constant 0 : index
    %get3A_1 = arith.constant 0 : index
    %get3A_2 = vector.load %arg4[%get3A, %get3A_0, %get3A_1] : memref<1x2000x16xf32, #tpu.memory_space<vmem>>, vector<1x2000x1xf32>
    %get3A_3 = vector.shape_cast %get3A_2 : vector<1x2000x1xf32> to vector<2000x1xf32>
    %get3A_4 = arith.constant 0 : index
    %get3A_5 = arith.constant 0 : index
    %get3A_6 = arith.constant 0 : index
    %get3A_7 = vector.load %arg5[%get3A_4, %get3A_5, %get3A_6] : memref<1x2000x16xf32, #tpu.memory_space<vmem>>, vector<1x2000x1xf32>
    %get3A_8 = vector.shape_cast %get3A_7 : vector<1x2000x1xf32> to vector<2000x1xf32>
    %add3A = arith.addf %get3A_3, %get3A_8 : vector<2000x1xf32>
    %add3A_9 = arith.constant 1.000000e+00 : f32
    %add3A_10 = vector.broadcast %add3A_9 : f32 to vector<2000x1xf32>
    %add3A_11 = arith.addf %add3A, %add3A_10 : vector<2000x1xf32>
    %rsqrt3A = math.rsqrt %add3A_11 : vector<2000x1xf32>
    %get3A_12 = arith.constant 0 : index
    %get3A_13 = arith.constant 0 : index
    %get3A_14 = arith.constant 0 : index
    %get3A_15 = vector.load %arg1[%get3A_12, %get3A_13, %get3A_14] : memref<1x2000x128xf32, #tpu.memory_space<vmem>>, vector<1x2000x128xf32>
    %get3A_16 = vector.shape_cast %get3A_15 : vector<1x2000x128xf32> to vector<2000x128xf32>
    %get3A_17 = arith.constant 0 : index
    %get3A_18 = arith.constant 0 : index
    %get3A_19 = arith.constant 0 : index
    %get3A_20 = vector.load %arg2[%get3A_17, %get3A_18, %get3A_19] : memref<1x2000x128xf32, #tpu.memory_space<vmem>>, vector<1x2000x128xf32>
    %get3A_21 = vector.shape_cast %get3A_20 : vector<1x2000x128xf32> to vector<2000x128xf32>
    %add3A_22 = arith.addf %get3A_16, %get3A_21 : vector<2000x128xf32>
    %get3A_23 = arith.constant 0 : index
    %get3A_24 = arith.constant 0 : index
    %get3A_25 = vector.load %arg3[%get3A_23, %get3A_24] : memref<2000x128xf32, #tpu.memory_space<vmem>>, vector<2000x128xf32>
    %add3A_26 = arith.addf %add3A_22, %get3A_25 : vector<2000x128xf32>
    %mul3A = vector.broadcast %rsqrt3A : vector<2000x1xf32> to vector<2000x128xf32>
    %mul3A_27 = arith.mulf %add3A_26, %mul3A : vector<2000x128xf32>
    %get3A_28 = arith.constant 0 : index
    %get3A_29 = arith.constant 0 : index
    %get3A_30 = vector.load %arg7[%get3A_28, %get3A_29] : memref<1x128xf32, #tpu.memory_space<vmem>>, vector<1x128xf32>
    %add3A_31 = vector.broadcast %get3A_30 : vector<1x128xf32> to vector<2000x128xf32>
    %add3A_32 = arith.addf %mul3A_27, %add3A_31 : vector<2000x128xf32>
    %max3A = arith.constant 0.000000e+00 : f32
    %max3A_33 = vector.broadcast %max3A : f32 to vector<2000x128xf32>
    %max3A_34 = arith.maximumf %add3A_32, %max3A_33 : vector<2000x128xf32>
    %get3A_35 = arith.constant 0 : index
    %get3A_36 = arith.constant 0 : index
    %get3A_37 = vector.load %arg6[%get3A_35, %get3A_36] : memref<128x128xf32, #tpu.memory_space<vmem>>, vector<128x128xf32>
    %dot_general3A = arith.constant dense<0.000000e+00> : vector<2000x128xf32>
    %dot_general3A_38 = tpu.matmul %max3A_34, %get3A_37, %dot_general3A {dimension_numbers = #tpu.dot_dimension_numbers<[1], [0], [0], [1], [0, 0, 1, 1], [], []>, transpose_lhs_hint = false} : vector<2000x128xf32>, vector<128x128xf32>, vector<2000x128xf32> -> vector<2000x128xf32>
    %mul3A_39 = vector.broadcast %rsqrt3A : vector<2000x1xf32> to vector<2000x128xf32>
    %mul3A_40 = arith.mulf %dot_general3A_38, %mul3A_39 : vector<2000x128xf32>
    %swap3A = arith.constant 0 : index
    %swap3A_41 = arith.constant 0 : index
    %swap3A_42 = vector.load %arg8[%swap3A, %swap3A_41] : memref<2000x128xf32, #tpu.memory_space<vmem>>, vector<2000x128xf32>
    tpu.vector_store %arg8[%swap3A, %swap3A_41], %mul3A_40 {strides = array<i32>} : memref<2000x128xf32, #tpu.memory_space<vmem>>, vector<2000x128xf32>,
    return
  }
  func.func @transform_0(%arg0: i32) -> (i32, i32, i32) {
    %c0_i32 = arith.constant 0 : i32
    %c0_i32_0 = arith.constant 0 : i32
    %c0_i32_1 = arith.constant 0 : i32
    return %c0_i32, %arg0, %c0_i32_0 : i32, i32, i32
  }
  func.func @transform_1(%arg0: i32) -> (i32, i32, i32) {
    %c1_i32 = arith.constant 1 : i32
    %c0_i32 = arith.constant 0 : i32
    %c0_i32_0 = arith.constant 0 : i32
    return %c1_i32, %arg0, %c0_i32 : i32, i32, i32
  }
  func.func @transform_2(%arg0: i32) -> (i32, i32) {
    %c0_i32 = arith.constant 0 : i32
    %c0_i32_0 = arith.constant 0 : i32
    return %arg0, %c0_i32 : i32, i32
  }
  func.func @transform_3(%arg0: i32) -> (i32, i32, i32) {
    %c0_i32 = arith.constant 0 : i32
    %c0_i32_0 = arith.constant 0 : i32
    %c0_i32_1 = arith.constant 0 : i32
    return %c0_i32, %arg0, %c0_i32_0 : i32, i32, i32
  }
  func.func @transform_4(%arg0: i32) -> (i32, i32, i32) {
    %c1_i32 = arith.constant 1 : i32
    %c0_i32 = arith.constant 0 : i32
    %c0_i32_0 = arith.constant 0 : i32
    return %c1_i32, %arg0, %c0_i32 : i32, i32, i32
  }
  func.func @transform_5(%arg0: i32) -> (i32, i32) {
    %c0_i32 = arith.constant 0 : i32
    %c0_i32_0 = arith.constant 0 : i32
    %c0_i32_1 = arith.constant 0 : i32
    return %c0_i32, %c0_i32_0 : i32, i32
  }
  func.func @transform_6(%arg0: i32) -> (i32, i32) {
    %c0_i32 = arith.constant 0 : i32
    %c0_i32_0 = arith.constant 0 : i32
    %c0_i32_1 = arith.constant 0 : i32
    return %c0_i32, %c0_i32_0 : i32, i32
  }
  func.func @transform_7(%arg0: i32) -> (i32, i32) {
    %c0_i32 = arith.constant 0 : i32
    %c0_i32_0 = arith.constant 0 : i32
    return %arg0, %c0_i32 : i32, i32
  }
}

module attributes {stable_mosaic.version = 14 : i64} {
  func.func @_tc3_body(%arg0: i32, %arg1: memref<1x2000x128xf32, #tpu.memory_space<vmem>>, %arg2: memref<1x2000x128xf32, #tpu.memory_space<vmem>>, %arg3: memref<2000x128xf32, #tpu.memory_space<vmem>>, %arg4: memref<1x2000x16xf32, #tpu.memory_space<vmem>>, %arg5: memref<1x2000x16xf32, #tpu.memory_space<vmem>>, %arg6: memref<128x128xf32, #tpu.memory_space<vmem>>, %arg7: memref<1x128xf32, #tpu.memory_space<vmem>>, %arg8: memref<1x128xf32, #tpu.memory_space<vmem>>, %arg9: memref<2000x128xf32, #tpu.memory_space<vmem>>) attributes {dimension_semantics = [#tpu.dimension_semantics<arbitrary>], iteration_bounds = array<i64: 5>, scalar_prefetch = 0 : i64, scratch_operands = 0 : i64, tpu.core_type = #tpu.core_type<tc>, window_params = [{transform_indices = @transform_0, window_bounds = array<i64: 1, 2000, 128>}, {transform_indices = @transform_1, window_bounds = array<i64: 1, 2000, 128>}, {transform_indices = @transform_2, window_bounds = array<i64: 2000, 128>}, {transform_indices = @transform_3, window_bounds = array<i64: 1, 2000, 16>}, {transform_indices = @transform_4, window_bounds = array<i64: 1, 2000, 16>}, {pipeline_mode = #tpu.pipeline_mode<synchronous>, transform_indices = @transform_5, window_bounds = array<i64: 128, 128>}, {pipeline_mode = #tpu.pipeline_mode<synchronous>, transform_indices = @transform_6, window_bounds = array<i64: 1, 128>}, {pipeline_mode = #tpu.pipeline_mode<synchronous>, transform_indices = @transform_7, window_bounds = array<i64: 1, 128>}, {transform_indices = @transform_8, window_bounds = array<i64: 2000, 128>}]} {
    %get3A = arith.constant 0 : index
    %get3A_0 = arith.constant 0 : index
    %get3A_1 = arith.constant 0 : index
    %get3A_2 = vector.load %arg4[%get3A, %get3A_0, %get3A_1] : memref<1x2000x16xf32, #tpu.memory_space<vmem>>, vector<1x2000x1xf32>
    %get3A_3 = vector.shape_cast %get3A_2 : vector<1x2000x1xf32> to vector<2000x1xf32>
    %get3A_4 = arith.constant 0 : index
    %get3A_5 = arith.constant 0 : index
    %get3A_6 = arith.constant 0 : index
    %get3A_7 = vector.load %arg5[%get3A_4, %get3A_5, %get3A_6] : memref<1x2000x16xf32, #tpu.memory_space<vmem>>, vector<1x2000x1xf32>
    %get3A_8 = vector.shape_cast %get3A_7 : vector<1x2000x1xf32> to vector<2000x1xf32>
    %add3A = arith.addf %get3A_3, %get3A_8 : vector<2000x1xf32>
    %add3A_9 = arith.constant 1.000000e+00 : f32
    %add3A_10 = vector.broadcast %add3A_9 : f32 to vector<2000x1xf32>
    %add3A_11 = arith.addf %add3A, %add3A_10 : vector<2000x1xf32>
    %rsqrt3A = math.rsqrt %add3A_11 : vector<2000x1xf32>
    %get3A_12 = arith.constant 0 : index
    %get3A_13 = arith.constant 0 : index
    %get3A_14 = arith.constant 0 : index
    %get3A_15 = vector.load %arg1[%get3A_12, %get3A_13, %get3A_14] : memref<1x2000x128xf32, #tpu.memory_space<vmem>>, vector<1x2000x128xf32>
    %get3A_16 = vector.shape_cast %get3A_15 : vector<1x2000x128xf32> to vector<2000x128xf32>
    %get3A_17 = arith.constant 0 : index
    %get3A_18 = arith.constant 0 : index
    %get3A_19 = arith.constant 0 : index
    %get3A_20 = vector.load %arg2[%get3A_17, %get3A_18, %get3A_19] : memref<1x2000x128xf32, #tpu.memory_space<vmem>>, vector<1x2000x128xf32>
    %get3A_21 = vector.shape_cast %get3A_20 : vector<1x2000x128xf32> to vector<2000x128xf32>
    %add3A_22 = arith.addf %get3A_16, %get3A_21 : vector<2000x128xf32>
    %get3A_23 = arith.constant 0 : index
    %get3A_24 = arith.constant 0 : index
    %get3A_25 = vector.load %arg3[%get3A_23, %get3A_24] : memref<2000x128xf32, #tpu.memory_space<vmem>>, vector<2000x128xf32>
    %add3A_26 = arith.addf %add3A_22, %get3A_25 : vector<2000x128xf32>
    %mul3A = vector.broadcast %rsqrt3A : vector<2000x1xf32> to vector<2000x128xf32>
    %mul3A_27 = arith.mulf %add3A_26, %mul3A : vector<2000x128xf32>
    %get3A_28 = arith.constant 0 : index
    %get3A_29 = arith.constant 0 : index
    %get3A_30 = vector.load %arg7[%get3A_28, %get3A_29] : memref<1x128xf32, #tpu.memory_space<vmem>>, vector<1x128xf32>
    %add3A_31 = vector.broadcast %get3A_30 : vector<1x128xf32> to vector<2000x128xf32>
    %add3A_32 = arith.addf %mul3A_27, %add3A_31 : vector<2000x128xf32>
    %max3A = arith.constant 0.000000e+00 : f32
    %max3A_33 = vector.broadcast %max3A : f32 to vector<2000x128xf32>
    %max3A_34 = arith.maximumf %add3A_32, %max3A_33 : vector<2000x128xf32>
    %get3A_35 = arith.constant 0 : index
    %get3A_36 = arith.constant 0 : index
    %get3A_37 = vector.load %arg6[%get3A_35, %get3A_36] : memref<128x128xf32, #tpu.memory_space<vmem>>, vector<128x128xf32>
    %dot_general3A = arith.constant dense<0.000000e+00> : vector<2000x128xf32>
    %dot_general3A_38 = tpu.matmul %max3A_34, %get3A_37, %dot_general3A {dimension_numbers = #tpu.dot_dimension_numbers<[1], [0], [0], [1], [0, 0, 1, 1], [], []>, transpose_lhs_hint = false} : vector<2000x128xf32>, vector<128x128xf32>, vector<2000x128xf32> -> vector<2000x128xf32>
    %get3A_39 = arith.constant 0 : index
    %get3A_40 = arith.constant 0 : index
    %get3A_41 = vector.load %arg8[%get3A_39, %get3A_40] : memref<1x128xf32, #tpu.memory_space<vmem>>, vector<1x128xf32>
    %add3A_42 = vector.broadcast %get3A_41 : vector<1x128xf32> to vector<2000x128xf32>
    %add3A_43 = arith.addf %dot_general3A_38, %add3A_42 : vector<2000x128xf32>
    %iota3A = tpu.iota {dimensions = array<i32: 1>} : vector<2000x128xi32>
    %lt3A = arith.constant 7 : i32
    %lt3A_44 = vector.broadcast %lt3A : i32 to vector<2000x128xi32>
    %lt3A_45 = arith.cmpi slt, %iota3A, %lt3A_44 : vector<2000x128xi32>
    %jit3A = arith.constant -1.000000e+30 : f32
    %broadcast_in_dim3A = vector.broadcast %jit3A : f32 to vector<2000x128xf32>
    %select_n3A = arith.select %lt3A_45, %add3A_43, %broadcast_in_dim3A : vector<2000x128xi1>, vector<2000x128xf32>
    %reduce_max3A = arith.constant dense<0xFF800000> : vector<2000xf32>
    %reduce_max3A_46 = vector.multi_reduction <maximumf>, %select_n3A, %reduce_max3A [1] : vector<2000x128xf32> to vector<2000xf32>
    %broadcast_in_dim3A_47 = vector.shape_cast %reduce_max3A_46 : vector<2000xf32> to vector<2000x1xf32>
    %sub3A = vector.broadcast %broadcast_in_dim3A_47 : vector<2000x1xf32> to vector<2000x128xf32>
    %sub3A_48 = arith.subf %select_n3A, %sub3A : vector<2000x128xf32>
    %exp3A = math.exp %sub3A_48 : vector<2000x128xf32>
    %reduce_sum3A = arith.constant dense<0.000000e+00> : vector<2000xf32>
    %reduce_sum3A_49 = vector.multi_reduction <add>, %exp3A, %reduce_sum3A [1] : vector<2000x128xf32> to vector<2000xf32>
    %broadcast_in_dim3A_50 = vector.shape_cast %reduce_sum3A_49 : vector<2000xf32> to vector<2000x1xf32>
    %div3A = vector.broadcast %broadcast_in_dim3A_50 : vector<2000x1xf32> to vector<2000x128xf32>
    %div3A_51 = arith.divf %exp3A, %div3A : vector<2000x128xf32>
    %swap3A = arith.constant 0 : index
    %swap3A_52 = arith.constant 0 : index
    %swap3A_53 = vector.load %arg9[%swap3A, %swap3A_52] : memref<2000x128xf32, #tpu.memory_space<vmem>>, vector<2000x128xf32>
    tpu.vector_store %arg9[%swap3A, %swap3A_52], %div3A_51 {strides = array<i32>} : memref<2000x128xf32, #tpu.memory_space<vmem>>, vector<2000x128xf32>,
    return
  }
  func.func @transform_0(%arg0: i32) -> (i32, i32, i32) {
    %c0_i32 = arith.constant 0 : i32
    %c0_i32_0 = arith.constant 0 : i32
    %c0_i32_1 = arith.constant 0 : i32
    return %c0_i32, %arg0, %c0_i32_0 : i32, i32, i32
  }
  func.func @transform_1(%arg0: i32) -> (i32, i32, i32) {
    %c1_i32 = arith.constant 1 : i32
    %c0_i32 = arith.constant 0 : i32
    %c0_i32_0 = arith.constant 0 : i32
    return %c1_i32, %arg0, %c0_i32 : i32, i32, i32
  }
  func.func @transform_2(%arg0: i32) -> (i32, i32) {
    %c0_i32 = arith.constant 0 : i32
    %c0_i32_0 = arith.constant 0 : i32
    return %arg0, %c0_i32 : i32, i32
  }
  func.func @transform_3(%arg0: i32) -> (i32, i32, i32) {
    %c0_i32 = arith.constant 0 : i32
    %c0_i32_0 = arith.constant 0 : i32
    %c0_i32_1 = arith.constant 0 : i32
    return %c0_i32, %arg0, %c0_i32_0 : i32, i32, i32
  }
  func.func @transform_4(%arg0: i32) -> (i32, i32, i32) {
    %c1_i32 = arith.constant 1 : i32
    %c0_i32 = arith.constant 0 : i32
    %c0_i32_0 = arith.constant 0 : i32
    return %c1_i32, %arg0, %c0_i32 : i32, i32, i32
  }
  func.func @transform_5(%arg0: i32) -> (i32, i32) {
    %c0_i32 = arith.constant 0 : i32
    %c0_i32_0 = arith.constant 0 : i32
    %c0_i32_1 = arith.constant 0 : i32
    return %c0_i32, %c0_i32_0 : i32, i32
  }
  func.func @transform_6(%arg0: i32) -> (i32, i32) {
    %c0_i32 = arith.constant 0 : i32
    %c0_i32_0 = arith.constant 0 : i32
    %c0_i32_1 = arith.constant 0 : i32
    return %c0_i32, %c0_i32_0 : i32, i32
  }
  func.func @transform_7(%arg0: i32) -> (i32, i32) {
    %c0_i32 = arith.constant 0 : i32
    %c0_i32_0 = arith.constant 0 : i32
    %c0_i32_1 = arith.constant 0 : i32
    return %c0_i32, %c0_i32_0 : i32, i32
  }
  func.func @transform_8(%arg0: i32) -> (i32, i32) {
    %c0_i32 = arith.constant 0 : i32
    %c0_i32_0 = arith.constant 0 : i32
    return %arg0, %c0_i32 : i32, i32
  }
}

</mosaic_0001>

<sc_bundles>
// kernel: kernel.11.cloned.1.call-start
scs
__scs_entry_jumppad:
0x0: {  	(pc) =	sbr.rel $0x88, $3  }
0x1: {  	(tag) =	ssettag $0x0;
	lr =	simm.s32 $0x1  }
0x2: {  	[smem:$0x3F99] =	sst lr;
	_ =	strace $0xD0000000  }
0x3: {  	_ = 	snop  }
0x4: {  	_ = 	snop  }
0x5: {  	_ = 	snop  }
0x6: {  	_ = 	snop  }
0x7: {  	_ = 	snop  }
__scs_overlays_trampoline_lowered:
0x8: {  	[smem:$0x3FA8] =	sst s0  }
0x9: {  	[smem:$0x3FA9] =	sst s1  }
0xa: {  	[smem:$0x3FAA] =	sst s2  }
0xb: {  	[smem:$0x3FAB] =	sst s3  }
0xc: {  	[smem:$0x3FAC] =	sst s4  }
0xd: {  	[smem:$0x3FAD] =	sst s5  }
0xe: {  	[smem:$0x3FAE] =	sst s6  }
0xf: {  	[smem:$0x3FAF] =	sst s7  }
0x10: {  	[smem:$0x3FB0] =	sst s8  }
0x11: {  	[smem:$0x3FB1] =	sst s9;
	s0 =	simm.s32 @!p0 $0x0  }
0x12: {  	s1 =	sld [smem:$0x3F97];
	s0 =	simm.s32 @p0 $0x1  }
0x13: {  	[smem:$0x3FB2] =	sst s0;
	s0 =	simm.s32 @!p1 $0x0  }
0x14: {  	s2 =	sld [smem:$0x3F96];
	s0 =	simm.s32 @p1 $0x1  }
0x15: {  	[smem:$0x3FB3] =	sst s0;
	s0 =	simm.s32 @!p2 $0x0  }
0x16: {  	s3 =	sld [smem:$0x3FDB];
	s0 =	simm.s32 @p2 $0x1  }
0x17: {  	s4 =	simm.s32 $0x1BF5;
	[smem:$0x3FB5] =	sst s0  }
0x18: {  	s0 =	sld [smem:$0x3F98];
	_ =	swait.ge [sflag:s4], $0x0  }
0x19: {  	s7 =	sld [smem:$0x3F99]  }
0x1a: {  	s8 =	sadd.s32 $0xFFFFE003, lr  }
0x1b: {  	s9 =	sadd.s32 $0xFFFFFEF7, lr;
	s5 =	simm.s32 $0xFFFFFFFF;
	p2 =	slt.u32 s8, $0xFFFFF086  }
0x1c: {  	p1 =	slt.u32 s9, $0xF7A;
	s5 =	simm.s32 @!p2 $0x0  }
0x1d: {  	s5 =	simm.s32 @p1 $0x1;
	p0 =	seq.s32 s7, s2  }
0x1e: {  	s7 =	smul.u32 @!p0 $0xF7A, s2;
	p2 =	seq.s32 @!p0 s5, $0x0  }
0x1f: {  	s9 =	smul.u32 $0xF7A, s1;
	s8 =	simm.s32 @!p0 $0x1BF5;
	p2 =	por !p2, p0  }
0x20: {  	[sflag:s8] =	ssyncset.s32 @!p0 $0xFFFFF086;
	s6 =	sadd.s32 @!p0 s3, s7;
	s7 =	simm.s32 @!p0 $0x108  }
0x21: {  	s3 =	sadd.s32 s3, s9;
	s6 =	sadd.s32 @!p0 $0x88, s6;
	s7 =	simm.s32 @p2 $0x1082  }
0x22: {  	[simem:s7], [sflag:s8] =	dma.local @!p0 [hbm:s6], $0xF7A  }
0x23: {  	s9 =	sor.u32 $0xD0000000, s2;
	s6 =	simm.s32 $0x108;
	_ =	swait.ge @!p0 [sflag:s8], $0x0  }
0x24: {  	s3 =	sadd.s32 $0x88, s3;
	s6 =	simm.s32 @!p1 $0x1082;
	[sflag:s4] =	ssyncset.s32 $0xFFFFF086  }
0x25: {  	[simem:s6], [sflag:s4] =	dma.local [hbm:s3], $0xF7A  }
0x26: {  	[smem:$0x3F99] =	sst s1;
	(tag) =	ssettag s2;
	_ =	strace s9  }
0x27: {  	s1 =	sld [smem:$0x3FA9]  }
0x28: {  	s2 =	sld [smem:$0x3FAA]  }
0x29: {  	s4 =	sld [smem:$0x3FAC]  }
0x2a: {  	p0 =	seq.s32 s5, $0x0;
	s5 =	sld [smem:$0x3FAD]  }
0x2b: {  	s6 =	sld [smem:$0x3FAE]  }
0x2c: {  	s7 =	sld [smem:$0x3FAF]  }
0x2d: {  	s3 =	simm.s32 $0x108;
	s8 =	sld [smem:$0x3FB0]  }
0x2e: {  	s3 =	simm.s32 @!p0 $0x1082;
	s9 =	sld [smem:$0x3FB1]  }
0x2f: {  	lr =	sadd.s32 s0, s3;
	s0 =	sld [smem:$0x3FA8]  }
0x30: {  	s3 =	sld [smem:$0x3FAB]  }
0x31: {  	[smem:$0x3FB4] =	sst s10  }
0x32: {  	s10 =	sld [smem:$0x3FB2];
	_ =	sdelay $0x3  }
0x33: {  	p0 =	seq.s32 s10, $0x1;
	s10 =	sld [smem:$0x3FB4];
	_ =	sdelay $0x3  }
0x34: {  	[smem:$0x3FB4] =	sst s10  }
0x35: {  	s10 =	sld [smem:$0x3FB3];
	_ =	sdelay $0x3  }
0x36: {  	p1 =	seq.s32 s10, $0x1;
	s10 =	sld [smem:$0x3FB4];
	_ =	sdelay $0x3  }
0x37: {  	[smem:$0x3FB4] =	sst s10  }
0x38: {  	s10 =	sld [smem:$0x3FB5]  }
0x39: {  	_ = 	snop;
	(pc) =	sbr.ind lr, $3  }
0x3a: {  	_ = 	snop  }
0x3b: {  	_ = 	snop  }
0x3c: {  	p2 =	seq.s32 s10, $0x1;
	s10 =	sld [smem:$0x3FB4]  }
0x3d: {  	_ =	shalt  }
0x3e: {  	_ =	shalt  }
0x3f: {  	_ =	shalt  }
0x40: {  	_ =	shalt  }
0x41: {  	_ =	shalt  }
0x42: {  	_ =	shalt  }
0x43: {  	_ =	shalt  }
0x44: {  	_ =	shalt  }
0x45: {  	_ =	shalt  }
0x46: {  	_ =	shalt  }
0x47: {  	_ =	shalt  }
0x48: {  	_ =	shalt  }
0x49: {  	_ =	shalt  }
0x4a: {  	_ =	shalt  }
0x4b: {  	_ =	shalt  }
0x4c: {  	_ =	shalt  }
0x4d: {  	_ =	shalt  }
0x4e: {  	_ =	shalt  }
0x4f: {  	_ =	shalt  }
0x50: {  	_ =	shalt  }
0x51: {  	_ =	shalt  }
0x52: {  	_ =	shalt  }
0x53: {  	_ =	shalt  }
0x54: {  	_ =	shalt  }
0x55: {  	_ =	shalt  }
0x56: {  	_ =	shalt  }
0x57: {  	_ =	shalt  }
0x58: {  	_ =	shalt  }
0x59: {  	_ =	shalt  }
0x5a: {  	_ =	shalt  }
0x5b: {  	_ =	shalt  }
0x5c: {  	_ =	shalt  }
0x5d: {  	_ =	shalt  }
0x5e: {  	_ =	shalt  }
0x5f: {  	_ =	shalt  }
0x60: {  	_ =	shalt  }
0x61: {  	_ =	shalt  }
0x62: {  	_ =	shalt  }
0x63: {  	_ =	shalt  }
0x64: {  	_ =	shalt  }
0x65: {  	_ =	shalt  }
0x66: {  	_ =	shalt  }
0x67: {  	_ =	shalt  }
0x68: {  	_ =	shalt  }
0x69: {  	_ =	shalt  }
0x6a: {  	_ =	shalt  }
0x6b: {  	_ =	shalt  }
0x6c: {  	_ =	shalt  }
0x6d: {  	_ =	shalt  }
0x6e: {  	_ =	shalt  }
0x6f: {  	_ =	shalt  }
0x70: {  	_ =	shalt  }
0x71: {  	_ =	shalt  }
0x72: {  	_ =	shalt  }
0x73: {  	_ =	shalt  }
0x74: {  	_ =	shalt  }
0x75: {  	_ =	shalt  }
0x76: {  	_ =	shalt  }
0x77: {  	_ =	shalt  }
0x78: {  	_ =	shalt  }
0x79: {  	_ =	shalt  }
0x7a: {  	_ =	shalt  }
0x7b: {  	_ =	shalt  }
0x7c: {  	_ =	shalt  }
0x7d: {  	_ =	shalt  }
0x7e: {  	_ =	shalt  }
0x7f: {  	_ =	shalt  }
0x80: {  	_ =	shalt  }
0x81: {  	_ =	shalt  }
0x82: {  	_ =	shalt  }
0x83: {  	_ =	shalt  }
0x84: {  	_ =	shalt  }
0x85: {  	_ =	shalt  }
0x86: {  	_ =	shalt  }
0x87: {  	_ =	shalt  }
.Lfunc_end0:
.L_simem_size_0:
called_computation.1_lowered:
.L_overlay_start_0:
0x88: {  	s2 =	sld [smem:$0x3FD9]  }
0x89: {  	s3 =	sld [smem:$0x3FFE];
	_ =	sdelay $0x1  }
0x8a: {  	s1 =	srdreg.scid  }
0x8b: {  	s0 =	sand.u32 $0x1, s1  }
0x8c: {  	s16 =	sshll.u32 s0, $0xA;
	s2 =	sadd.s32 s3, s2  }
0x8d: {  	s2 =	sadd.s32 s2, s16  }
0x8e: {  	[smem:$0x3FC0] =	sst s2  }
0x8f: {  	_ = 	snop  }
0x90: {  	(tm) =	ssettm $0x1  }
0x91: {  	s17 =	sld [smem:$0x3FFB];
	_ =	sdelay $0x3  }
0x92: {  	_ =	strace s17  }
0x93: {  	s2 =	sld [smem:$0x3FFC];
	_ =	sdelay $0x3  }
0x94: {  	_ =	strace s2  }
0x95: {  	s2 =	sld [smem:$0x3FFD];
	_ =	sdelay $0x3  }
0x96: {  	_ =	strace s2  }
0x97: {  	_ =	strace $0x8FFFFFFF  }
0x98: {  	s18 =	sld [smem:$0x3FDB];
	_ =	sdelay $0x1  }
0x99: {  	s19 =	simm.s32 $_scs_section_size  }
0x9a: {  	s4 =	simm.s32 $_size__tile_overlayer_lowered;
	s5 =	simm.s32 $_tile_overlayer_lowered  }
0x9b: {  	s22 =	simm.s32 $0x1BFF;
	s21 =	sshll.u32 s5, $0x1;
	s2 =	sadd.s32 s19, s18  }
0x9c: {  	s6 =	simm.s32 $0x0;
	s20 =	sshll.u32 s4, $0x1;
	s4 =	sadd.s32 s21, s2  }
0x9d: {  	[timem:s6], [sflag:s22] =	dma.local [hbm:s4], s20  }
0x9e: {  	_ =	swait.ge [sflag:s22], s20  }
0x9f: {  	s3 =	ssub.s32 $0x0, s20;
	[sflag:s22] =	ssyncset.done $0x0  }
0xa0: {  	[sflag:s22] =	ssyncadd.s32 s3;
	_ =	sdelay $0x1  }
0xa1: {  	s23 =	simm.s32 $0x1B8B  }
0xa2: {  	_ =	swait.ge [sflag:s23], $0x1  }
0xa3: {  	[sflag:s23] =	ssyncset.done $0x0  }
0xa4: {  	s25 =	simm.s32 $0x1B8E;
	s24 =	sld [smem:$0x3FFE];
	[sflag:s23] =	ssyncadd.s32 $0xFFFFFFFF  }
0xa5: {  	s26 =	simm.s32 $execute0_lowered;
	[smem:$0x3FD2] =	sst s25  }
0xa6: {  	s4 =	sshll.u32 s26, $0x1;
	_ =	strace $0x80000049;
	[dreg:$0x1] =	wrdreg $0xFFFFFFFF  }
0xa7: {  	s28 =	simm.s32 $_size_execute0_lowered;
	s2 =	sadd.s32 s2, s4;
	[dreg:$0x0] =	wrdreg $0x0  }
0xa8: {  	s4 =	sshll.u32 s28, $0x1;
	[dreg:$0x2] =	wrdreg s2  }
0xa9: {  	[dreg:$0x3] =	wrdreg s4  }
0xaa: {  	[dreg:$0x4] =	wrdreg $0xC0  }
0xab: {  	_ =	task [dreg:s6], $0x5FFFF  }
0xac: {  	[dreg:$0x1] =	wrdreg $0xFFFFFFFF  }
0xad: {  	[dreg:$0x0] =	wrdreg $0x60  }
0xae: {  	[dreg:$0x2] =	wrdreg s24  }
0xaf: {  	[dreg:$0x3] =	wrdreg $0x41000  }
0xb0: {  	[dreg:$0x4] =	wrdreg $0x9  }
0xb1: {  	_ =	task.clear_ibuf [dreg:s6], $0x5FFFF;
	_ =	strace $0x90000049  }
0xb2: {  	s29 =	simm.s32 $0x9;
	_ =	strace $0x8000004B  }
0xb3: {  	_ =	swait.ge [sflag:s29], $0x1  }
0xb4: {  	[sflag:s29] =	ssyncadd.s32 $0xFFFFFFFF  }
0xb5: {  	_ =	strace $0x9000004B  }
0xb6: {  	_ =	sfence  }
0xb7: {  	s30 =	sld [smem:$0x0];
	_ =	sdelay $0x2  }
0xb8: {  	s31 =	sshll.u32 s1, $0xD;
	s1 =	sshrl.u32 s1, $0x2  }
0xb9: {  	s3 =	sand.u32 $0x4000, s31;
	s1 =	sadd.s32 s1, s30  }
0xba: {  	s0 =	sor.u32 s3, s0;
	s1 =	sshll.u32 s1, $0x11  }
0xbb: {  	s0 =	sor.u32 s1, s0  }
0xbc: {  	s0 =	sadd.s32 $0x8F2B, s0  }
0xbd: {  	[sflag:s0] =	ssyncadd.remote.s32 $0x1  }
0xbe: {  	_ =	sfence.sel $0xFFFF  }
0xbf: {  	[dreg:$0x0] =	wrdreg $0xFFFFFFFF;
	(pc) =	sbr.abs _section_cstart, $3  }
0xc0: {  	[dreg:$0x1] =	wrdreg $0xFFFFFFFF  }
0xc1: {  	_ =	task.clear_ibuf [dreg:s6], $0x2FFFF;
	_ =	strace $0x9FFFFFFF  }
0xc2: {  	(tm) =	ssettm $0x7FFFFFFF  }
0xc3: {  	_ =	shalt  }
tec
execute0_lowered:
.L_overlay_start_1:
0x0: {  	(tag) =	ssettag $0x1  }
0x1: {  	s5 =	rddreg [dreg:$0x0];
	s0 =	srdreg.scid  }
0x2: {  	s2 =	rddreg [dreg:$0x1];
	s1 =	stileid.u32;
	s3 =	simm.s32 $0x0  }
0x3: {  	s15 =	simm.s32 $0x2;
	s16 =	simm.s32 $0x80;
	s7 =	smul.u32 $0x14000, s1  }
0x4: {  	s17 =	simm.s32 $0x1;
	s20 =	simm.s32 $0x0;
	s9 =	smul.u32 $0x50000, s1  }
0x5: {  	s6 =	sand.u32 $0x1, s0;
	s0 =	rddreg [dreg:$0x2];
	s12 =	smul.u32 $0x4F0, s1  }
0x6: {  	[smem:$0x7FF] =	sst s3;
	s18 =	sshll.u32 s1, $0x6;
	s4 =	smul.u32 $0x140000, s6  }
0x7: {  	s8 =	smul.u32 $0x4F00, s6;
	_ =	strace $0x8000004A;
	s6 =	ssub.s32 $0x2, s6  }
0x8: {  	s18 =	sor.u32 $0x1C02, s18;
	s30 =	sshrl.u32 s9, $0x2;
	s31 =	sshrl.u32 s6, $0x1  }
0x9: {  	s7 =	sadd.s32 s7, s4;
	s10 =	sadd.s32 s8, s5;
	s4 =	sadd.s32 $0x65C00, s5  }
0xa: {  	s13 =	ssub.s32 s6, s31;
	s7 =	sshrl.u32 s7, $0x3;
	s14 =	sadd.s32 s12, s10  }
0xb: {  	s11 =	sadd.s32 s7, s5;
	s5 =	sadd.s32 s30, s2;
	s12 =	sadd.s32 $0x2000, s14  }
0xc: {  	s6 =	sadd.s32 $0x4000, s5;
	s7 =	sadd.s32 $0x8000, s5;
	s8 =	sadd.s32 $0xC000, s5  }
0xd: {  	s9 =	sadd.s32 $0x10000, s5;
	s10 =	sadd.s32 $0x8CE00, s11;
	s11 =	smax.u32 s13, $0x1  }
0xe: {  	v0 =	vimm.f32 $0.0e+00;
	s13 =	sadd.s32 $0x5BE00, s14;
	s14 =	simm.s32 $0x100;
	s19 =	sshrl.u32 s5, $0x3  }
.LBB2_1:
0xf: {  	s21 =	simm.s32 $0x0;
	s22 =	simm.s32 $0x200  }
.LBB2_2:
0x10: {  	p0 =	sne.s32 s22, $0xFE00;
	[tilespmem:s21+$0x170] =	vst v0  }
0x11: {  	[tilespmem:s21+$0x100] =	vst v0  }
0x12: {  	[tilespmem:s21+$0x110] =	vst v0  }
.Ltmp0:
0x13: {  	[tilespmem:s21+$0x120] =	vst v0;
	(pc) =	sbr.rel @p0 .LBB2_2-.Ltmp0, $4  }
0x14: {  	[tilespmem:s21+$0x130] =	vst v0  }
0x15: {  	[tilespmem:s21+$0x140] =	vst v0  }
0x16: {  	[tilespmem:s21+$0x150] =	vst v0  }
0x17: {  	[tilespmem:s21+$0x160] =	vst v0;
	s21 =	sshra.s32 s22, $0x2;
	s22 =	sadd.s32 $0x200, s22  }
0x18: {  	[tilespmem:s21+$0x170] =	vst v0  }
0x19: {  	[tilespmem:s21+$0x100] =	vst v0  }
0x1a: {  	[tilespmem:s21+$0x110] =	vst v0  }
0x1b: {  	[tilespmem:s21+$0x120] =	vst v0  }
0x1c: {  	[tilespmem:s21+$0x130] =	vst v0  }
0x1d: {  	[tilespmem:s21+$0x140] =	vst v0  }
0x1e: {  	[tilespmem:s21+$0x150] =	vst v0  }
0x1f: {  	[tilespmem:s21+$0x160] =	vst v0  }
0x20: {  	[spmem:s5] =	stream.linear.scatter [tilespmem:s14], [sflag:$0x2], $0x4000, $0x38;
	[tilespmem:$0x18100] =	vst v63  }
0x21: {  	_ =	swait.ge [sflag:s15], $0x4000  }
0x22: {  	[sflag:s15] =	ssyncset.done $0x0  }
0x23: {  	[sflag:s15] =	ssyncadd.s32 $0xFFFFC000  }
0x24: {  	[spmem:s6] =	stream.linear.scatter [tilespmem:s14], [sflag:$0x2], $0x4000, $0x38;
	[tilespmem:$0x18100] =	vst v63  }
0x25: {  	_ =	swait.ge [sflag:s15], $0x4000  }
0x26: {  	[sflag:s15] =	ssyncset.done $0x0  }
0x27: {  	[sflag:s15] =	ssyncadd.s32 $0xFFFFC000  }
0x28: {  	[spmem:s7] =	stream.linear.scatter [tilespmem:s14], [sflag:$0x2], $0x4000, $0x38;
	[tilespmem:$0x18100] =	vst v63  }
0x29: {  	_ =	swait.ge [sflag:s15], $0x4000  }
0x2a: {  	[sflag:s15] =	ssyncset.done $0x0  }
0x2b: {  	[sflag:s15] =	ssyncadd.s32 $0xFFFFC000  }
0x2c: {  	[spmem:s8] =	stream.linear.scatter [tilespmem:s14], [sflag:$0x2], $0x4000, $0x38;
	[tilespmem:$0x18100] =	vst v63  }
0x2d: {  	_ =	swait.ge [sflag:s15], $0x4000  }
0x2e: {  	[sflag:s15] =	ssyncset.done $0x0  }
0x2f: {  	[sflag:s15] =	ssyncadd.s32 $0xFFFFC000  }
0x30: {  	[spmem:s9] =	stream.linear.scatter [tilespmem:s14], [sflag:$0x2], $0x4000, $0x38;
	[tilespmem:$0x18100] =	vst v63  }
0x31: {  	_ =	swait.ge [sflag:s15], $0x4000  }
0x32: {  	[sflag:s15] =	ssyncset.done $0x0  }
0x33: {  	[sflag:s15] =	ssyncadd.s32 $0xFFFFC000  }
0x34: {  	s30 =	sadd.s32 $0x0, s13;
	[bflag:$0x0] =	sbarrier.arrive $0xFFFF  }
0x35: {  	[tilespmem:s3], [sflag:$0x2] =	stream.linear.gather [hbm4b:s30+s3], $0x80, $0x38;
	[tilespmem:$0x18100] =	vst v63  }
0x36: {  	_ =	swait.ge [sflag:s15], $0x80  }
0x37: {  	[sflag:s15] =	ssyncset.done $0x0  }
0x38: {  	s31 =	sadd.s32 $0x0, s12;
	[sflag:s15] =	ssyncadd.s32 $0xFFFFFF80  }
0x39: {  	[tilespmem:s16], [sflag:$0x2] =	stream.linear.gather [hbm4b:s31+s3], $0x80, $0x38;
	[tilespmem:$0x18100] =	vst v63  }
0x3a: {  	_ =	swait.ge [sflag:s15], $0x80  }
0x3b: {  	[sflag:s15] =	ssyncset.done $0x0  }
0x3c: {  	[sflag:s15] =	ssyncadd.s32 $0xFFFFFF80  }
0x3d: {  	[tilespmem:s14], [sflag:$0x1] =	stream.indirect.gather [hbm4b:s4+s16], $0x80, s3, s16, $0xb8;
	[tilespmem:$0x18100] =	vst v63  }
0x3e: {  	_ =	swait.ge [sflag:s17], $0x4000  }
0x3f: {  	[sflag:s17] =	ssyncset.done $0x0  }
0x40: {  	[sflag:s17] =	ssyncadd.s32 $0xFFFFC000  }
0x41: {  	[spmem:s2] =	stream.indirect.scatter.add.f32 [tilespmem:s14], [sflag:$0x2], $0x80, s16, s16, $0xb8;
	[tilespmem:$0x18100] =	vst v63  }
0x42: {  	_ =	swait.ge [sflag:s15], $0x4000  }
0x43: {  	s21 =	simm.s32 $0x10;
	s22 =	simm.s32 $0x20;
	[sflag:s15] =	ssyncset.done $0x0  }
.LBB2_4:
0x44: {  	s23 =	sadd.s32 s21, s13  }
0x45: {  	[sflag:s15] =	ssyncadd.s32 $0xFFFFC000;
	s24 =	smov.u32 s22;
	s25 =	sadd.s32 $0x10, s22  }
0x46: {  	[tilespmem:s3], [sflag:$0x2] =	stream.linear.gather [hbm4b:s23+s3], $0x80, $0x38;
	[tilespmem:$0x18100] =	vst v63  }
0x47: {  	p0 =	sne.s32 s22, $0x4E0;
	_ =	swait.ge [sflag:s15], $0x80  }
0x48: {  	[sflag:s15] =	ssyncset.done $0x0  }
0x49: {  	s22 =	sadd.s32 s21, s12;
	s21 =	smov.u32 s24;
	[sflag:s15] =	ssyncadd.s32 $0xFFFFFF80  }
0x4a: {  	[tilespmem:s16], [sflag:$0x2] =	stream.linear.gather [hbm4b:s22+s3], $0x80, $0x38;
	[tilespmem:$0x18100] =	vst v63  }
0x4b: {  	_ =	swait.ge [sflag:s15], $0x80  }
0x4c: {  	[sflag:s15] =	ssyncset.done $0x0  }
0x4d: {  	[sflag:s15] =	ssyncadd.s32 $0xFFFFFF80  }
0x4e: {  	[tilespmem:s14], [sflag:$0x1] =	stream.indirect.gather [hbm4b:s4+s16], $0x80, s3, s16, $0xb8;
	[tilespmem:$0x18100] =	vst v63  }
0x4f: {  	_ =	swait.ge [sflag:s17], $0x4000  }
.Ltmp1:
0x50: {  	[sflag:s17] =	ssyncset.done $0x0;
	(pc) =	sbr.rel @p0 .LBB2_4-.Ltmp1, $4  }
0x51: {  	[sflag:s17] =	ssyncadd.s32 $0xFFFFC000  }
0x52: {  	[spmem:s2] =	stream.indirect.scatter.add.f32 [tilespmem:s14], [sflag:$0x2], $0x80, s16, s16, $0xb8;
	[tilespmem:$0x18100] =	vst v63  }
0x53: {  	_ =	swait.ge [sflag:s15], $0x4000  }
0x54: {  	s22 =	smov.u32 s25;
	[sflag:s15] =	ssyncset.done $0x0  }
0x55: {  	s22 =	sadd.s32 s21, s13;
	[sflag:s15] =	ssyncadd.s32 $0xFFFFC000  }
0x56: {  	[tilespmem:s3], [sflag:$0x2] =	stream.linear.gather [hbm4b:s22+s3], $0x80, $0x38;
	[tilespmem:$0x18100] =	vst v63  }
0x57: {  	_ =	swait.ge [sflag:s15], $0x80  }
0x58: {  	[sflag:s15] =	ssyncset.done $0x0  }
0x59: {  	s31 =	sadd.s32 s21, s12;
	[sflag:s15] =	ssyncadd.s32 $0xFFFFFF80  }
0x5a: {  	[tilespmem:s16], [sflag:$0x2] =	stream.linear.gather [hbm4b:s31+s3], $0x80, $0x38;
	[tilespmem:$0x18100] =	vst v63  }
0x5b: {  	_ =	swait.ge [sflag:s15], $0x80  }
0x5c: {  	[sflag:s15] =	ssyncset.done $0x0  }
0x5d: {  	[sflag:s15] =	ssyncadd.s32 $0xFFFFFF80  }
0x5e: {  	[tilespmem:s14], [sflag:$0x1] =	stream.indirect.gather [hbm4b:s4+s16], $0x80, s3, s16, $0xb8;
	[tilespmem:$0x18100] =	vst v63  }
0x5f: {  	_ =	swait.ge [sflag:s17], $0x4000  }
0x60: {  	[sflag:s17] =	ssyncset.done $0x0  }
0x61: {  	[sflag:s17] =	ssyncadd.s32 $0xFFFFC000  }
0x62: {  	[spmem:s2] =	stream.indirect.scatter.add.f32 [tilespmem:s14], [sflag:$0x2], $0x80, s16, s16, $0xb8;
	[tilespmem:$0x18100] =	vst v63  }
0x63: {  	_ =	swait.ge [sflag:s15], $0x4000  }
0x64: {  	s20 =	sadd.s32 $0x1, s20;
	[sflag:s15] =	ssyncset.done $0x0  }
0x65: {  	p0 =	sne.s32 s20, s11;
	[sflag:s15] =	ssyncadd.s32 $0xFFFFC000  }
.Ltmp2:
0x66: {  	[bflag:$0x0] =	sbarrier.arrive $0xFFFF;
	(pc) =	sbr.rel @p0 .LBB2_1-.Ltmp2, $4  }
0x67: {  	[hbm:s10], [sflag:s18] =	dma.local [spmem:s19], $0x2800  }
0x68: {  	_ =	swait.ge [sflag:s15], $0x2800  }
0x69: {  	[sflag:s15] =	ssyncset.done $0x0  }
0x6a: {  	[sflag:s15] =	ssyncadd.s32 $0xFFFFD800  }
0x6b: {  	_ =	sfence.sel $0x180000  }
0x6c: {  	[bflag:$0x0] =	sbarrier.arrive $0xFFFF  }
0x6d: {  	p0 =	sne.s32 s1, $0x0;
	_ =	strace $0x9000004A  }
0x6e: {  	s0 =	sadd.s32 @!p0 $0x100000, s0;
	[bflag:$0x2] =	sbarrier.arrive $0xFFFF  }
0x6f: {  	[sflag:s0] =	ssyncadd.tile.s32 @!p0 $0x1;
	_ =	shalt  }
.Lfunc_end2:
_tile_overlayer_lowered:
.L_overlay_start_2:
0x70: {  	(tag) =	ssettag $0x2  }
0x71: {  	s0 =	rddreg [dreg:$0x0];
	s2 =	stileid.u32  }
0x72: {  	s1 =	rddreg [dreg:$0x1];
	p0 =	sne.s32 s2, $0x0  }
0x73: {  	s3 =	rddreg [dreg:$0x2];
	[bflag:$0x3] =	sbarrier.arrive $0xFFFF;
	s2 =	simm.s32 @!p0 $0x1C02  }
0x74: {  	[timem:s3], [sflag:s2] =	dma.local @!p0 [hbm:s0], s1  }
0x75: {  	s0 =	simm.s32 @!p0 $0x2  }
0x76: {  	_ =	swait.ge @!p0 [sflag:s0], s1  }
0x77: {  	s1 =	ssub.s32 @!p0 $0x0, s1;
	[sflag:s0] =	ssyncset.done @!p0 $0x0  }
0x78: {  	[sflag:s0] =	ssyncadd.s32 @!p0 s1  }
0x79: {  	[bflag:$0x3] =	sbarrier.arrive $0xFFFF  }
0x7a: {  	_ =	shalt  }

// kernel: kernel.14.cloned.1.call-start
scs
__scs_entry_jumppad:
0x0: {  	(pc) =	sbr.rel $0x88, $3  }
0x1: {  	(tag) =	ssettag $0x0;
	lr =	simm.s32 $0x1  }
0x2: {  	[smem:$0x3F99] =	sst lr;
	_ =	strace $0xD0000000  }
0x3: {  	_ = 	snop  }
0x4: {  	_ = 	snop  }
0x5: {  	_ = 	snop  }
0x6: {  	_ = 	snop  }
0x7: {  	_ = 	snop  }
__scs_overlays_trampoline_lowered:
0x8: {  	[smem:$0x3FA8] =	sst s0  }
0x9: {  	[smem:$0x3FA9] =	sst s1  }
0xa: {  	[smem:$0x3FAA] =	sst s2  }
0xb: {  	[smem:$0x3FAB] =	sst s3  }
0xc: {  	[smem:$0x3FAC] =	sst s4  }
0xd: {  	[smem:$0x3FAD] =	sst s5  }
0xe: {  	[smem:$0x3FAE] =	sst s6  }
0xf: {  	[smem:$0x3FAF] =	sst s7  }
0x10: {  	[smem:$0x3FB0] =	sst s8  }
0x11: {  	[smem:$0x3FB1] =	sst s9;
	s0 =	simm.s32 @!p0 $0x0  }
0x12: {  	s1 =	sld [smem:$0x3F97];
	s0 =	simm.s32 @p0 $0x1  }
0x13: {  	[smem:$0x3FB2] =	sst s0;
	s0 =	simm.s32 @!p1 $0x0  }
0x14: {  	s2 =	sld [smem:$0x3F96];
	s0 =	simm.s32 @p1 $0x1  }
0x15: {  	[smem:$0x3FB3] =	sst s0;
	s0 =	simm.s32 @!p2 $0x0  }
0x16: {  	s3 =	sld [smem:$0x3FDB];
	s0 =	simm.s32 @p2 $0x1  }
0x17: {  	s4 =	simm.s32 $0x1BF5;
	[smem:$0x3FB5] =	sst s0  }
0x18: {  	s0 =	sld [smem:$0x3F98];
	_ =	swait.ge [sflag:s4], $0x0  }
0x19: {  	s7 =	sld [smem:$0x3F99]  }
0x1a: {  	s8 =	sadd.s32 $0xFFFFE003, lr  }
0x1b: {  	s9 =	sadd.s32 $0xFFFFFEF7, lr;
	s5 =	simm.s32 $0xFFFFFFFF;
	p2 =	slt.u32 s8, $0xFFFFF086  }
0x1c: {  	p1 =	slt.u32 s9, $0xF7A;
	s5 =	simm.s32 @!p2 $0x0  }
0x1d: {  	s5 =	simm.s32 @p1 $0x1;
	p0 =	seq.s32 s7, s2  }
0x1e: {  	s7 =	smul.u32 @!p0 $0xF7A, s2;
	p2 =	seq.s32 @!p0 s5, $0x0  }
0x1f: {  	s9 =	smul.u32 $0xF7A, s1;
	s8 =	simm.s32 @!p0 $0x1BF5;
	p2 =	por !p2, p0  }
0x20: {  	[sflag:s8] =	ssyncset.s32 @!p0 $0xFFFFF086;
	s6 =	sadd.s32 @!p0 s3, s7;
	s7 =	simm.s32 @!p0 $0x108  }
0x21: {  	s3 =	sadd.s32 s3, s9;
	s6 =	sadd.s32 @!p0 $0x88, s6;
	s7 =	simm.s32 @p2 $0x1082  }
0x22: {  	[simem:s7], [sflag:s8] =	dma.local @!p0 [hbm:s6], $0xF7A  }
0x23: {  	s9 =	sor.u32 $0xD0000000, s2;
	s6 =	simm.s32 $0x108;
	_ =	swait.ge @!p0 [sflag:s8], $0x0  }
0x24: {  	s3 =	sadd.s32 $0x88, s3;
	s6 =	simm.s32 @!p1 $0x1082;
	[sflag:s4] =	ssyncset.s32 $0xFFFFF086  }
0x25: {  	[simem:s6], [sflag:s4] =	dma.local [hbm:s3], $0xF7A  }
0x26: {  	[smem:$0x3F99] =	sst s1;
	(tag) =	ssettag s2;
	_ =	strace s9  }
0x27: {  	s1 =	sld [smem:$0x3FA9]  }
0x28: {  	s2 =	sld [smem:$0x3FAA]  }
0x29: {  	s4 =	sld [smem:$0x3FAC]  }
0x2a: {  	p0 =	seq.s32 s5, $0x0;
	s5 =	sld [smem:$0x3FAD]  }
0x2b: {  	s6 =	sld [smem:$0x3FAE]  }
0x2c: {  	s7 =	sld [smem:$0x3FAF]  }
0x2d: {  	s3 =	simm.s32 $0x108;
	s8 =	sld [smem:$0x3FB0]  }
0x2e: {  	s3 =	simm.s32 @!p0 $0x1082;
	s9 =	sld [smem:$0x3FB1]  }
0x2f: {  	lr =	sadd.s32 s0, s3;
	s0 =	sld [smem:$0x3FA8]  }
0x30: {  	s3 =	sld [smem:$0x3FAB]  }
0x31: {  	[smem:$0x3FB4] =	sst s10  }
0x32: {  	s10 =	sld [smem:$0x3FB2];
	_ =	sdelay $0x3  }
0x33: {  	p0 =	seq.s32 s10, $0x1;
	s10 =	sld [smem:$0x3FB4];
	_ =	sdelay $0x3  }
0x34: {  	[smem:$0x3FB4] =	sst s10  }
0x35: {  	s10 =	sld [smem:$0x3FB3];
	_ =	sdelay $0x3  }
0x36: {  	p1 =	seq.s32 s10, $0x1;
	s10 =	sld [smem:$0x3FB4];
	_ =	sdelay $0x3  }
0x37: {  	[smem:$0x3FB4] =	sst s10  }
0x38: {  	s10 =	sld [smem:$0x3FB5]  }
0x39: {  	_ = 	snop;
	(pc) =	sbr.ind lr, $3  }
0x3a: {  	_ = 	snop  }
0x3b: {  	_ = 	snop  }
0x3c: {  	p2 =	seq.s32 s10, $0x1;
	s10 =	sld [smem:$0x3FB4]  }
0x3d: {  	_ =	shalt  }
0x3e: {  	_ =	shalt  }
0x3f: {  	_ =	shalt  }
0x40: {  	_ =	shalt  }
0x41: {  	_ =	shalt  }
0x42: {  	_ =	shalt  }
0x43: {  	_ =	shalt  }
0x44: {  	_ =	shalt  }
0x45: {  	_ =	shalt  }
0x46: {  	_ =	shalt  }
0x47: {  	_ =	shalt  }
0x48: {  	_ =	shalt  }
0x49: {  	_ =	shalt  }
0x4a: {  	_ =	shalt  }
0x4b: {  	_ =	shalt  }
0x4c: {  	_ =	shalt  }
0x4d: {  	_ =	shalt  }
0x4e: {  	_ =	shalt  }
0x4f: {  	_ =	shalt  }
0x50: {  	_ =	shalt  }
0x51: {  	_ =	shalt  }
0x52: {  	_ =	shalt  }
0x53: {  	_ =	shalt  }
0x54: {  	_ =	shalt  }
0x55: {  	_ =	shalt  }
0x56: {  	_ =	shalt  }
0x57: {  	_ =	shalt  }
0x58: {  	_ =	shalt  }
0x59: {  	_ =	shalt  }
0x5a: {  	_ =	shalt  }
0x5b: {  	_ =	shalt  }
0x5c: {  	_ =	shalt  }
0x5d: {  	_ =	shalt  }
0x5e: {  	_ =	shalt  }
0x5f: {  	_ =	shalt  }
0x60: {  	_ =	shalt  }
0x61: {  	_ =	shalt  }
0x62: {  	_ =	shalt  }
0x63: {  	_ =	shalt  }
0x64: {  	_ =	shalt  }
0x65: {  	_ =	shalt  }
0x66: {  	_ =	shalt  }
0x67: {  	_ =	shalt  }
0x68: {  	_ =	shalt  }
0x69: {  	_ =	shalt  }
0x6a: {  	_ =	shalt  }
0x6b: {  	_ =	shalt  }
0x6c: {  	_ =	shalt  }
0x6d: {  	_ =	shalt  }
0x6e: {  	_ =	shalt  }
0x6f: {  	_ =	shalt  }
0x70: {  	_ =	shalt  }
0x71: {  	_ =	shalt  }
0x72: {  	_ =	shalt  }
0x73: {  	_ =	shalt  }
0x74: {  	_ =	shalt  }
0x75: {  	_ =	shalt  }
0x76: {  	_ =	shalt  }
0x77: {  	_ =	shalt  }
0x78: {  	_ =	shalt  }
0x79: {  	_ =	shalt  }
0x7a: {  	_ =	shalt  }
0x7b: {  	_ =	shalt  }
0x7c: {  	_ =	shalt  }
0x7d: {  	_ =	shalt  }
0x7e: {  	_ =	shalt  }
0x7f: {  	_ =	shalt  }
0x80: {  	_ =	shalt  }
0x81: {  	_ =	shalt  }
0x82: {  	_ =	shalt  }
0x83: {  	_ =	shalt  }
0x84: {  	_ =	shalt  }
0x85: {  	_ =	shalt  }
0x86: {  	_ =	shalt  }
0x87: {  	_ =	shalt  }
.Lfunc_end0:
.L_simem_size_0:
called_computation.2_lowered:
.L_overlay_start_0:
0x88: {  	s2 =	sld [smem:$0x3FD9]  }
0x89: {  	s3 =	sld [smem:$0x3FFE];
	_ =	sdelay $0x1  }
0x8a: {  	s1 =	srdreg.scid  }
0x8b: {  	s0 =	sand.u32 $0x1, s1  }
0x8c: {  	s16 =	sshll.u32 s0, $0xA;
	s2 =	sadd.s32 s3, s2  }
0x8d: {  	s2 =	sadd.s32 s2, s16  }
0x8e: {  	[smem:$0x3FC0] =	sst s2  }
0x8f: {  	_ = 	snop  }
0x90: {  	(tm) =	ssettm $0x1  }
0x91: {  	s17 =	sld [smem:$0x3FFB];
	_ =	sdelay $0x3  }
0x92: {  	_ =	strace s17  }
0x93: {  	s2 =	sld [smem:$0x3FFC];
	_ =	sdelay $0x3  }
0x94: {  	_ =	strace s2  }
0x95: {  	s2 =	sld [smem:$0x3FFD];
	_ =	sdelay $0x3  }
0x96: {  	_ =	strace s2  }
0x97: {  	_ =	strace $0x8FFFFFFF  }
0x98: {  	s18 =	sld [smem:$0x3FDB];
	_ =	sdelay $0x1  }
0x99: {  	s19 =	simm.s32 $_scs_section_size  }
0x9a: {  	s4 =	simm.s32 $_size__tile_overlayer_lowered;
	s5 =	simm.s32 $_tile_overlayer_lowered  }
0x9b: {  	s22 =	simm.s32 $0x1BFF;
	s21 =	sshll.u32 s5, $0x1;
	s2 =	sadd.s32 s19, s18  }
0x9c: {  	s6 =	simm.s32 $0x0;
	s20 =	sshll.u32 s4, $0x1;
	s4 =	sadd.s32 s21, s2  }
0x9d: {  	[timem:s6], [sflag:s22] =	dma.local [hbm:s4], s20  }
0x9e: {  	_ =	swait.ge [sflag:s22], s20  }
0x9f: {  	s3 =	ssub.s32 $0x0, s20;
	[sflag:s22] =	ssyncset.done $0x0  }
0xa0: {  	[sflag:s22] =	ssyncadd.s32 s3;
	_ =	sdelay $0x1  }
0xa1: {  	s23 =	simm.s32 $0x1B8B  }
0xa2: {  	_ =	swait.ge [sflag:s23], $0x1  }
0xa3: {  	[sflag:s23] =	ssyncset.done $0x0  }
0xa4: {  	s25 =	simm.s32 $0x1B8E;
	s24 =	sld [smem:$0x3FFE];
	[sflag:s23] =	ssyncadd.s32 $0xFFFFFFFF  }
0xa5: {  	s26 =	simm.s32 $execute0_lowered;
	[smem:$0x3FD2] =	sst s25  }
0xa6: {  	s4 =	sshll.u32 s26, $0x1;
	_ =	strace $0x8000004C;
	[dreg:$0x1] =	wrdreg $0xFFFFFFFF  }
0xa7: {  	s28 =	simm.s32 $_size_execute0_lowered;
	s2 =	sadd.s32 s2, s4;
	[dreg:$0x0] =	wrdreg $0x0  }
0xa8: {  	s4 =	sshll.u32 s28, $0x1;
	[dreg:$0x2] =	wrdreg s2  }
0xa9: {  	[dreg:$0x3] =	wrdreg s4  }
0xaa: {  	[dreg:$0x4] =	wrdreg $0xC0  }
0xab: {  	_ =	task [dreg:s6], $0x5FFFF  }
0xac: {  	[dreg:$0x1] =	wrdreg $0xFFFFFFFF  }
0xad: {  	[dreg:$0x0] =	wrdreg $0x60  }
0xae: {  	[dreg:$0x2] =	wrdreg s24  }
0xaf: {  	[dreg:$0x3] =	wrdreg $0x41000  }
0xb0: {  	[dreg:$0x4] =	wrdreg $0x9  }
0xb1: {  	_ =	task.clear_ibuf [dreg:s6], $0x5FFFF;
	_ =	strace $0x9000004C  }
0xb2: {  	s29 =	simm.s32 $0x9;
	_ =	strace $0x8000004E  }
0xb3: {  	_ =	swait.ge [sflag:s29], $0x1  }
0xb4: {  	[sflag:s29] =	ssyncadd.s32 $0xFFFFFFFF  }
0xb5: {  	_ =	strace $0x9000004E  }
0xb6: {  	_ =	sfence  }
0xb7: {  	s30 =	sld [smem:$0x0];
	_ =	sdelay $0x2  }
0xb8: {  	s31 =	sshll.u32 s1, $0xD;
	s1 =	sshrl.u32 s1, $0x2  }
0xb9: {  	s3 =	sand.u32 $0x4000, s31;
	s1 =	sadd.s32 s1, s30  }
0xba: {  	s0 =	sor.u32 s3, s0;
	s1 =	sshll.u32 s1, $0x11  }
0xbb: {  	s0 =	sor.u32 s1, s0  }
0xbc: {  	s0 =	sadd.s32 $0x8F2B, s0  }
0xbd: {  	[sflag:s0] =	ssyncadd.remote.s32 $0x1  }
0xbe: {  	_ =	sfence.sel $0xFFFF  }
0xbf: {  	[dreg:$0x0] =	wrdreg $0xFFFFFFFF;
	(pc) =	sbr.abs _section_cstart, $3  }
0xc0: {  	[dreg:$0x1] =	wrdreg $0xFFFFFFFF  }
0xc1: {  	_ =	task.clear_ibuf [dreg:s6], $0x2FFFF;
	_ =	strace $0x9FFFFFFF  }
0xc2: {  	(tm) =	ssettm $0x7FFFFFFF  }
0xc3: {  	_ =	shalt  }
tec
execute0_lowered:
.L_overlay_start_1:
0x0: {  	(tag) =	ssettag $0x1  }
0x1: {  	s5 =	rddreg [dreg:$0x0];
	s0 =	srdreg.scid  }
0x2: {  	s2 =	rddreg [dreg:$0x1];
	s1 =	stileid.u32;
	s3 =	simm.s32 $0x0  }
0x3: {  	s15 =	simm.s32 $0x2;
	s16 =	simm.s32 $0x80;
	s7 =	smul.u32 $0x14000, s1  }
0x4: {  	s17 =	simm.s32 $0x1;
	s20 =	simm.s32 $0x0;
	s9 =	smul.u32 $0x50000, s1  }
0x5: {  	s6 =	sand.u32 $0x1, s0;
	s0 =	rddreg [dreg:$0x2];
	s12 =	smul.u32 $0x4F0, s1  }
0x6: {  	[smem:$0x7FF] =	sst s3;
	s18 =	sshll.u32 s1, $0x6;
	s4 =	smul.u32 $0x140000, s6  }
0x7: {  	s8 =	smul.u32 $0x4F00, s6;
	_ =	strace $0x8000004D;
	s6 =	ssub.s32 $0x2, s6  }
0x8: {  	s18 =	sor.u32 $0x1C02, s18;
	s30 =	sshrl.u32 s9, $0x2;
	s31 =	sshrl.u32 s6, $0x1  }
0x9: {  	s7 =	sadd.s32 s7, s4;
	s10 =	sadd.s32 s8, s5;
	s4 =	sadd.s32 $0x65C00, s5  }
0xa: {  	s13 =	ssub.s32 s6, s31;
	s7 =	sshrl.u32 s7, $0x3;
	s14 =	sadd.s32 s12, s10  }
0xb: {  	s11 =	sadd.s32 s7, s5;
	s5 =	sadd.s32 s30, s2;
	s12 =	sadd.s32 $0x2000, s14  }
0xc: {  	s6 =	sadd.s32 $0x4000, s5;
	s7 =	sadd.s32 $0x8000, s5;
	s8 =	sadd.s32 $0xC000, s5  }
0xd: {  	s9 =	sadd.s32 $0x10000, s5;
	s10 =	sadd.s32 $0x8CE00, s11;
	s11 =	smax.u32 s13, $0x1  }
0xe: {  	v0 =	vimm.f32 $0.0e+00;
	s13 =	sadd.s32 $0x5BE00, s14;
	s14 =	simm.s32 $0x100;
	s19 =	sshrl.u32 s5, $0x3  }
.LBB2_1:
0xf: {  	s21 =	simm.s32 $0x0;
	s22 =	simm.s32 $0x200  }
.LBB2_2:
0x10: {  	p0 =	sne.s32 s22, $0xFE00;
	[tilespmem:s21+$0x170] =	vst v0  }
0x11: {  	[tilespmem:s21+$0x100] =	vst v0  }
0x12: {  	[tilespmem:s21+$0x110] =	vst v0  }
.Ltmp0:
0x13: {  	[tilespmem:s21+$0x120] =	vst v0;
	(pc) =	sbr.rel @p0 .LBB2_2-.Ltmp0, $4  }
0x14: {  	[tilespmem:s21+$0x130] =	vst v0  }
0x15: {  	[tilespmem:s21+$0x140] =	vst v0  }
0x16: {  	[tilespmem:s21+$0x150] =	vst v0  }
0x17: {  	[tilespmem:s21+$0x160] =	vst v0;
	s21 =	sshra.s32 s22, $0x2;
	s22 =	sadd.s32 $0x200, s22  }
0x18: {  	[tilespmem:s21+$0x170] =	vst v0  }
0x19: {  	[tilespmem:s21+$0x100] =	vst v0  }
0x1a: {  	[tilespmem:s21+$0x110] =	vst v0  }
0x1b: {  	[tilespmem:s21+$0x120] =	vst v0  }
0x1c: {  	[tilespmem:s21+$0x130] =	vst v0  }
0x1d: {  	[tilespmem:s21+$0x140] =	vst v0  }
0x1e: {  	[tilespmem:s21+$0x150] =	vst v0  }
0x1f: {  	[tilespmem:s21+$0x160] =	vst v0  }
0x20: {  	[spmem:s5] =	stream.linear.scatter [tilespmem:s14], [sflag:$0x2], $0x4000, $0x38;
	[tilespmem:$0x18100] =	vst v63  }
0x21: {  	_ =	swait.ge [sflag:s15], $0x4000  }
0x22: {  	[sflag:s15] =	ssyncset.done $0x0  }
0x23: {  	[sflag:s15] =	ssyncadd.s32 $0xFFFFC000  }
0x24: {  	[spmem:s6] =	stream.linear.scatter [tilespmem:s14], [sflag:$0x2], $0x4000, $0x38;
	[tilespmem:$0x18100] =	vst v63  }
0x25: {  	_ =	swait.ge [sflag:s15], $0x4000  }
0x26: {  	[sflag:s15] =	ssyncset.done $0x0  }
0x27: {  	[sflag:s15] =	ssyncadd.s32 $0xFFFFC000  }
0x28: {  	[spmem:s7] =	stream.linear.scatter [tilespmem:s14], [sflag:$0x2], $0x4000, $0x38;
	[tilespmem:$0x18100] =	vst v63  }
0x29: {  	_ =	swait.ge [sflag:s15], $0x4000  }
0x2a: {  	[sflag:s15] =	ssyncset.done $0x0  }
0x2b: {  	[sflag:s15] =	ssyncadd.s32 $0xFFFFC000  }
0x2c: {  	[spmem:s8] =	stream.linear.scatter [tilespmem:s14], [sflag:$0x2], $0x4000, $0x38;
	[tilespmem:$0x18100] =	vst v63  }
0x2d: {  	_ =	swait.ge [sflag:s15], $0x4000  }
0x2e: {  	[sflag:s15] =	ssyncset.done $0x0  }
0x2f: {  	[sflag:s15] =	ssyncadd.s32 $0xFFFFC000  }
0x30: {  	[spmem:s9] =	stream.linear.scatter [tilespmem:s14], [sflag:$0x2], $0x4000, $0x38;
	[tilespmem:$0x18100] =	vst v63  }
0x31: {  	_ =	swait.ge [sflag:s15], $0x4000  }
0x32: {  	[sflag:s15] =	ssyncset.done $0x0  }
0x33: {  	[sflag:s15] =	ssyncadd.s32 $0xFFFFC000  }
0x34: {  	s30 =	sadd.s32 $0x0, s13;
	[bflag:$0x0] =	sbarrier.arrive $0xFFFF  }
0x35: {  	[tilespmem:s3], [sflag:$0x2] =	stream.linear.gather [hbm4b:s30+s3], $0x80, $0x38;
	[tilespmem:$0x18100] =	vst v63  }
0x36: {  	_ =	swait.ge [sflag:s15], $0x80  }
0x37: {  	[sflag:s15] =	ssyncset.done $0x0  }
0x38: {  	s31 =	sadd.s32 $0x0, s12;
	[sflag:s15] =	ssyncadd.s32 $0xFFFFFF80  }
0x39: {  	[tilespmem:s16], [sflag:$0x2] =	stream.linear.gather [hbm4b:s31+s3], $0x80, $0x38;
	[tilespmem:$0x18100] =	vst v63  }
0x3a: {  	_ =	swait.ge [sflag:s15], $0x80  }
0x3b: {  	[sflag:s15] =	ssyncset.done $0x0  }
0x3c: {  	[sflag:s15] =	ssyncadd.s32 $0xFFFFFF80  }
0x3d: {  	[tilespmem:s14], [sflag:$0x1] =	stream.indirect.gather [hbm4b:s4+s16], $0x80, s3, s16, $0xb8;
	[tilespmem:$0x18100] =	vst v63  }
0x3e: {  	_ =	swait.ge [sflag:s17], $0x4000  }
0x3f: {  	[sflag:s17] =	ssyncset.done $0x0  }
0x40: {  	[sflag:s17] =	ssyncadd.s32 $0xFFFFC000  }
0x41: {  	[spmem:s2] =	stream.indirect.scatter.add.f32 [tilespmem:s14], [sflag:$0x2], $0x80, s16, s16, $0xb8;
	[tilespmem:$0x18100] =	vst v63  }
0x42: {  	_ =	swait.ge [sflag:s15], $0x4000  }
0x43: {  	s21 =	simm.s32 $0x10;
	s22 =	simm.s32 $0x20;
	[sflag:s15] =	ssyncset.done $0x0  }
.LBB2_4:
0x44: {  	s23 =	sadd.s32 s21, s13  }
0x45: {  	[sflag:s15] =	ssyncadd.s32 $0xFFFFC000;
	s24 =	smov.u32 s22;
	s25 =	sadd.s32 $0x10, s22  }
0x46: {  	[tilespmem:s3], [sflag:$0x2] =	stream.linear.gather [hbm4b:s23+s3], $0x80, $0x38;
	[tilespmem:$0x18100] =	vst v63  }
0x47: {  	p0 =	sne.s32 s22, $0x4E0;
	_ =	swait.ge [sflag:s15], $0x80  }
0x48: {  	[sflag:s15] =	ssyncset.done $0x0  }
0x49: {  	s22 =	sadd.s32 s21, s12;
	s21 =	smov.u32 s24;
	[sflag:s15] =	ssyncadd.s32 $0xFFFFFF80  }
0x4a: {  	[tilespmem:s16], [sflag:$0x2] =	stream.linear.gather [hbm4b:s22+s3], $0x80, $0x38;
	[tilespmem:$0x18100] =	vst v63  }
0x4b: {  	_ =	swait.ge [sflag:s15], $0x80  }
0x4c: {  	[sflag:s15] =	ssyncset.done $0x0  }
0x4d: {  	[sflag:s15] =	ssyncadd.s32 $0xFFFFFF80  }
0x4e: {  	[tilespmem:s14], [sflag:$0x1] =	stream.indirect.gather [hbm4b:s4+s16], $0x80, s3, s16, $0xb8;
	[tilespmem:$0x18100] =	vst v63  }
0x4f: {  	_ =	swait.ge [sflag:s17], $0x4000  }
.Ltmp1:
0x50: {  	[sflag:s17] =	ssyncset.done $0x0;
	(pc) =	sbr.rel @p0 .LBB2_4-.Ltmp1, $4  }
0x51: {  	[sflag:s17] =	ssyncadd.s32 $0xFFFFC000  }
0x52: {  	[spmem:s2] =	stream.indirect.scatter.add.f32 [tilespmem:s14], [sflag:$0x2], $0x80, s16, s16, $0xb8;
	[tilespmem:$0x18100] =	vst v63  }
0x53: {  	_ =	swait.ge [sflag:s15], $0x4000  }
0x54: {  	s22 =	smov.u32 s25;
	[sflag:s15] =	ssyncset.done $0x0  }
0x55: {  	s22 =	sadd.s32 s21, s13;
	[sflag:s15] =	ssyncadd.s32 $0xFFFFC000  }
0x56: {  	[tilespmem:s3], [sflag:$0x2] =	stream.linear.gather [hbm4b:s22+s3], $0x80, $0x38;
	[tilespmem:$0x18100] =	vst v63  }
0x57: {  	_ =	swait.ge [sflag:s15], $0x80  }
0x58: {  	[sflag:s15] =	ssyncset.done $0x0  }
0x59: {  	s31 =	sadd.s32 s21, s12;
	[sflag:s15] =	ssyncadd.s32 $0xFFFFFF80  }
0x5a: {  	[tilespmem:s16], [sflag:$0x2] =	stream.linear.gather [hbm4b:s31+s3], $0x80, $0x38;
	[tilespmem:$0x18100] =	vst v63  }
0x5b: {  	_ =	swait.ge [sflag:s15], $0x80  }
0x5c: {  	[sflag:s15] =	ssyncset.done $0x0  }
0x5d: {  	[sflag:s15] =	ssyncadd.s32 $0xFFFFFF80  }
0x5e: {  	[tilespmem:s14], [sflag:$0x1] =	stream.indirect.gather [hbm4b:s4+s16], $0x80, s3, s16, $0xb8;
	[tilespmem:$0x18100] =	vst v63  }
0x5f: {  	_ =	swait.ge [sflag:s17], $0x4000  }
0x60: {  	[sflag:s17] =	ssyncset.done $0x0  }
0x61: {  	[sflag:s17] =	ssyncadd.s32 $0xFFFFC000  }
0x62: {  	[spmem:s2] =	stream.indirect.scatter.add.f32 [tilespmem:s14], [sflag:$0x2], $0x80, s16, s16, $0xb8;
	[tilespmem:$0x18100] =	vst v63  }
0x63: {  	_ =	swait.ge [sflag:s15], $0x4000  }
0x64: {  	s20 =	sadd.s32 $0x1, s20;
	[sflag:s15] =	ssyncset.done $0x0  }
0x65: {  	p0 =	sne.s32 s20, s11;
	[sflag:s15] =	ssyncadd.s32 $0xFFFFC000  }
.Ltmp2:
0x66: {  	[bflag:$0x0] =	sbarrier.arrive $0xFFFF;
	(pc) =	sbr.rel @p0 .LBB2_1-.Ltmp2, $4  }
0x67: {  	[hbm:s10], [sflag:s18] =	dma.local [spmem:s19], $0x2800  }
0x68: {  	_ =	swait.ge [sflag:s15], $0x2800  }
0x69: {  	[sflag:s15] =	ssyncset.done $0x0  }
0x6a: {  	[sflag:s15] =	ssyncadd.s32 $0xFFFFD800  }
0x6b: {  	_ =	sfence.sel $0x180000  }
0x6c: {  	[bflag:$0x0] =	sbarrier.arrive $0xFFFF  }
0x6d: {  	p0 =	sne.s32 s1, $0x0;
	_ =	strace $0x9000004D  }
0x6e: {  	s0 =	sadd.s32 @!p0 $0x100000, s0;
	[bflag:$0x2] =	sbarrier.arrive $0xFFFF  }
0x6f: {  	[sflag:s0] =	ssyncadd.tile.s32 @!p0 $0x1;
	_ =	shalt  }
.Lfunc_end2:
_tile_overlayer_lowered:
.L_overlay_start_2:
0x70: {  	(tag) =	ssettag $0x2  }
0x71: {  	s0 =	rddreg [dreg:$0x0];
	s2 =	stileid.u32  }
0x72: {  	s1 =	rddreg [dreg:$0x1];
	p0 =	sne.s32 s2, $0x0  }
0x73: {  	s3 =	rddreg [dreg:$0x2];
	[bflag:$0x3] =	sbarrier.arrive $0xFFFF;
	s2 =	simm.s32 @!p0 $0x1C02  }
0x74: {  	[timem:s3], [sflag:s2] =	dma.local @!p0 [hbm:s0], s1  }
0x75: {  	s0 =	simm.s32 @!p0 $0x2  }
0x76: {  	_ =	swait.ge @!p0 [sflag:s0], s1  }
0x77: {  	s1 =	ssub.s32 @!p0 $0x0, s1;
	[sflag:s0] =	ssyncset.done @!p0 $0x0  }
0x78: {  	[sflag:s0] =	ssyncadd.s32 @!p0 s1  }
0x79: {  	[bflag:$0x3] =	sbarrier.arrive $0xFFFF  }
0x7a: {  	_ =	shalt  }

// kernel: kernel.8.cloned.1.call-start
scs
__scs_entry_jumppad:
0x0: {  	(pc) =	sbr.rel $0x88, $3  }
0x1: {  	(tag) =	ssettag $0x0;
	lr =	simm.s32 $0x1  }
0x2: {  	[smem:$0x3F99] =	sst lr;
	_ =	strace $0xD0000000  }
0x3: {  	_ = 	snop  }
0x4: {  	_ = 	snop  }
0x5: {  	_ = 	snop  }
0x6: {  	_ = 	snop  }
0x7: {  	_ = 	snop  }
__scs_overlays_trampoline_lowered:
0x8: {  	[smem:$0x3FA8] =	sst s0  }
0x9: {  	[smem:$0x3FA9] =	sst s1  }
0xa: {  	[smem:$0x3FAA] =	sst s2  }
0xb: {  	[smem:$0x3FAB] =	sst s3  }
0xc: {  	[smem:$0x3FAC] =	sst s4  }
0xd: {  	[smem:$0x3FAD] =	sst s5  }
0xe: {  	[smem:$0x3FAE] =	sst s6  }
0xf: {  	[smem:$0x3FAF] =	sst s7  }
0x10: {  	[smem:$0x3FB0] =	sst s8  }
0x11: {  	[smem:$0x3FB1] =	sst s9;
	s0 =	simm.s32 @!p0 $0x0  }
0x12: {  	s1 =	sld [smem:$0x3F97];
	s0 =	simm.s32 @p0 $0x1  }
0x13: {  	[smem:$0x3FB2] =	sst s0;
	s0 =	simm.s32 @!p1 $0x0  }
0x14: {  	s2 =	sld [smem:$0x3F96];
	s0 =	simm.s32 @p1 $0x1  }
0x15: {  	[smem:$0x3FB3] =	sst s0;
	s0 =	simm.s32 @!p2 $0x0  }
0x16: {  	s3 =	sld [smem:$0x3FDB];
	s0 =	simm.s32 @p2 $0x1  }
0x17: {  	s4 =	simm.s32 $0x1BF5;
	[smem:$0x3FB5] =	sst s0  }
0x18: {  	s0 =	sld [smem:$0x3F98];
	_ =	swait.ge [sflag:s4], $0x0  }
0x19: {  	s7 =	sld [smem:$0x3F99]  }
0x1a: {  	s8 =	sadd.s32 $0xFFFFE003, lr  }
0x1b: {  	s9 =	sadd.s32 $0xFFFFFEF7, lr;
	s5 =	simm.s32 $0xFFFFFFFF;
	p2 =	slt.u32 s8, $0xFFFFF086  }
0x1c: {  	p1 =	slt.u32 s9, $0xF7A;
	s5 =	simm.s32 @!p2 $0x0  }
0x1d: {  	s5 =	simm.s32 @p1 $0x1;
	p0 =	seq.s32 s7, s2  }
0x1e: {  	s7 =	smul.u32 @!p0 $0xF7A, s2;
	p2 =	seq.s32 @!p0 s5, $0x0  }
0x1f: {  	s9 =	smul.u32 $0xF7A, s1;
	s8 =	simm.s32 @!p0 $0x1BF5;
	p2 =	por !p2, p0  }
0x20: {  	[sflag:s8] =	ssyncset.s32 @!p0 $0xFFFFF086;
	s6 =	sadd.s32 @!p0 s3, s7;
	s7 =	simm.s32 @!p0 $0x108  }
0x21: {  	s3 =	sadd.s32 s3, s9;
	s6 =	sadd.s32 @!p0 $0x88, s6;
	s7 =	simm.s32 @p2 $0x1082  }
0x22: {  	[simem:s7], [sflag:s8] =	dma.local @!p0 [hbm:s6], $0xF7A  }
0x23: {  	s9 =	sor.u32 $0xD0000000, s2;
	s6 =	simm.s32 $0x108;
	_ =	swait.ge @!p0 [sflag:s8], $0x0  }
0x24: {  	s3 =	sadd.s32 $0x88, s3;
	s6 =	simm.s32 @!p1 $0x1082;
	[sflag:s4] =	ssyncset.s32 $0xFFFFF086  }
0x25: {  	[simem:s6], [sflag:s4] =	dma.local [hbm:s3], $0xF7A  }
0x26: {  	[smem:$0x3F99] =	sst s1;
	(tag) =	ssettag s2;
	_ =	strace s9  }
0x27: {  	s1 =	sld [smem:$0x3FA9]  }
0x28: {  	s2 =	sld [smem:$0x3FAA]  }
0x29: {  	s4 =	sld [smem:$0x3FAC]  }
0x2a: {  	p0 =	seq.s32 s5, $0x0;
	s5 =	sld [smem:$0x3FAD]  }
0x2b: {  	s6 =	sld [smem:$0x3FAE]  }
0x2c: {  	s7 =	sld [smem:$0x3FAF]  }
0x2d: {  	s3 =	simm.s32 $0x108;
	s8 =	sld [smem:$0x3FB0]  }
0x2e: {  	s3 =	simm.s32 @!p0 $0x1082;
	s9 =	sld [smem:$0x3FB1]  }
0x2f: {  	lr =	sadd.s32 s0, s3;
	s0 =	sld [smem:$0x3FA8]  }
0x30: {  	s3 =	sld [smem:$0x3FAB]  }
0x31: {  	[smem:$0x3FB4] =	sst s10  }
0x32: {  	s10 =	sld [smem:$0x3FB2];
	_ =	sdelay $0x3  }
0x33: {  	p0 =	seq.s32 s10, $0x1;
	s10 =	sld [smem:$0x3FB4];
	_ =	sdelay $0x3  }
0x34: {  	[smem:$0x3FB4] =	sst s10  }
0x35: {  	s10 =	sld [smem:$0x3FB3];
	_ =	sdelay $0x3  }
0x36: {  	p1 =	seq.s32 s10, $0x1;
	s10 =	sld [smem:$0x3FB4];
	_ =	sdelay $0x3  }
0x37: {  	[smem:$0x3FB4] =	sst s10  }
0x38: {  	s10 =	sld [smem:$0x3FB5]  }
0x39: {  	_ = 	snop;
	(pc) =	sbr.ind lr, $3  }
0x3a: {  	_ = 	snop  }
0x3b: {  	_ = 	snop  }
0x3c: {  	p2 =	seq.s32 s10, $0x1;
	s10 =	sld [smem:$0x3FB4]  }
0x3d: {  	_ =	shalt  }
0x3e: {  	_ =	shalt  }
0x3f: {  	_ =	shalt  }
0x40: {  	_ =	shalt  }
0x41: {  	_ =	shalt  }
0x42: {  	_ =	shalt  }
0x43: {  	_ =	shalt  }
0x44: {  	_ =	shalt  }
0x45: {  	_ =	shalt  }
0x46: {  	_ =	shalt  }
0x47: {  	_ =	shalt  }
0x48: {  	_ =	shalt  }
0x49: {  	_ =	shalt  }
0x4a: {  	_ =	shalt  }
0x4b: {  	_ =	shalt  }
0x4c: {  	_ =	shalt  }
0x4d: {  	_ =	shalt  }
0x4e: {  	_ =	shalt  }
0x4f: {  	_ =	shalt  }
0x50: {  	_ =	shalt  }
0x51: {  	_ =	shalt  }
0x52: {  	_ =	shalt  }
0x53: {  	_ =	shalt  }
0x54: {  	_ =	shalt  }
0x55: {  	_ =	shalt  }
0x56: {  	_ =	shalt  }
0x57: {  	_ =	shalt  }
0x58: {  	_ =	shalt  }
0x59: {  	_ =	shalt  }
0x5a: {  	_ =	shalt  }
0x5b: {  	_ =	shalt  }
0x5c: {  	_ =	shalt  }
0x5d: {  	_ =	shalt  }
0x5e: {  	_ =	shalt  }
0x5f: {  	_ =	shalt  }
0x60: {  	_ =	shalt  }
0x61: {  	_ =	shalt  }
0x62: {  	_ =	shalt  }
0x63: {  	_ =	shalt  }
0x64: {  	_ =	shalt  }
0x65: {  	_ =	shalt  }
0x66: {  	_ =	shalt  }
0x67: {  	_ =	shalt  }
0x68: {  	_ =	shalt  }
0x69: {  	_ =	shalt  }
0x6a: {  	_ =	shalt  }
0x6b: {  	_ =	shalt  }
0x6c: {  	_ =	shalt  }
0x6d: {  	_ =	shalt  }
0x6e: {  	_ =	shalt  }
0x6f: {  	_ =	shalt  }
0x70: {  	_ =	shalt  }
0x71: {  	_ =	shalt  }
0x72: {  	_ =	shalt  }
0x73: {  	_ =	shalt  }
0x74: {  	_ =	shalt  }
0x75: {  	_ =	shalt  }
0x76: {  	_ =	shalt  }
0x77: {  	_ =	shalt  }
0x78: {  	_ =	shalt  }
0x79: {  	_ =	shalt  }
0x7a: {  	_ =	shalt  }
0x7b: {  	_ =	shalt  }
0x7c: {  	_ =	shalt  }
0x7d: {  	_ =	shalt  }
0x7e: {  	_ =	shalt  }
0x7f: {  	_ =	shalt  }
0x80: {  	_ =	shalt  }
0x81: {  	_ =	shalt  }
0x82: {  	_ =	shalt  }
0x83: {  	_ =	shalt  }
0x84: {  	_ =	shalt  }
0x85: {  	_ =	shalt  }
0x86: {  	_ =	shalt  }
0x87: {  	_ =	shalt  }
.Lfunc_end0:
.L_simem_size_0:
called_computation_lowered:
.L_overlay_start_0:
0x88: {  	s2 =	sld [smem:$0x3FD9]  }
0x89: {  	s3 =	sld [smem:$0x3FFE];
	_ =	sdelay $0x1  }
0x8a: {  	s1 =	srdreg.scid  }
0x8b: {  	s0 =	sand.u32 $0x1, s1  }
0x8c: {  	s16 =	sshll.u32 s0, $0xA;
	s2 =	sadd.s32 s3, s2  }
0x8d: {  	s2 =	sadd.s32 s2, s16  }
0x8e: {  	[smem:$0x3FC0] =	sst s2  }
0x8f: {  	_ = 	snop  }
0x90: {  	(tm) =	ssettm $0x1  }
0x91: {  	s17 =	sld [smem:$0x3FFB];
	_ =	sdelay $0x3  }
0x92: {  	_ =	strace s17  }
0x93: {  	s2 =	sld [smem:$0x3FFC];
	_ =	sdelay $0x3  }
0x94: {  	_ =	strace s2  }
0x95: {  	s2 =	sld [smem:$0x3FFD];
	_ =	sdelay $0x3  }
0x96: {  	_ =	strace s2  }
0x97: {  	_ =	strace $0x8FFFFFFF  }
0x98: {  	s18 =	sld [smem:$0x3FDB];
	_ =	sdelay $0x1  }
0x99: {  	s19 =	simm.s32 $_scs_section_size  }
0x9a: {  	s4 =	simm.s32 $_size__tile_overlayer_lowered;
	s5 =	simm.s32 $_tile_overlayer_lowered  }
0x9b: {  	s22 =	simm.s32 $0x1BFF;
	s21 =	sshll.u32 s5, $0x1;
	s2 =	sadd.s32 s19, s18  }
0x9c: {  	s6 =	simm.s32 $0x0;
	s20 =	sshll.u32 s4, $0x1;
	s4 =	sadd.s32 s21, s2  }
0x9d: {  	[timem:s6], [sflag:s22] =	dma.local [hbm:s4], s20  }
0x9e: {  	_ =	swait.ge [sflag:s22], s20  }
0x9f: {  	s3 =	ssub.s32 $0x0, s20;
	[sflag:s22] =	ssyncset.done $0x0  }
0xa0: {  	[sflag:s22] =	ssyncadd.s32 s3;
	_ =	sdelay $0x1  }
0xa1: {  	s23 =	simm.s32 $0x1B8B  }
0xa2: {  	_ =	swait.ge [sflag:s23], $0x1  }
0xa3: {  	[sflag:s23] =	ssyncset.done $0x0  }
0xa4: {  	s25 =	simm.s32 $0x1B8E;
	s24 =	sld [smem:$0x3FFE];
	[sflag:s23] =	ssyncadd.s32 $0xFFFFFFFF  }
0xa5: {  	s26 =	simm.s32 $execute0_lowered;
	[smem:$0x3FD2] =	sst s25  }
0xa6: {  	s4 =	sshll.u32 s26, $0x1;
	_ =	strace $0x80000046;
	[dreg:$0x1] =	wrdreg $0xFFFFFFFF  }
0xa7: {  	s28 =	simm.s32 $_size_execute0_lowered;
	s2 =	sadd.s32 s2, s4;
	[dreg:$0x0] =	wrdreg $0x0  }
0xa8: {  	s4 =	sshll.u32 s28, $0x1;
	[dreg:$0x2] =	wrdreg s2  }
0xa9: {  	[dreg:$0x3] =	wrdreg s4  }
0xaa: {  	[dreg:$0x4] =	wrdreg $0xC0  }
0xab: {  	_ =	task [dreg:s6], $0x5FFFF  }
0xac: {  	[dreg:$0x1] =	wrdreg $0xFFFFFFFF  }
0xad: {  	[dreg:$0x0] =	wrdreg $0x60  }
0xae: {  	[dreg:$0x2] =	wrdreg s24  }
0xaf: {  	[dreg:$0x3] =	wrdreg $0x40800  }
0xb0: {  	[dreg:$0x4] =	wrdreg $0x9  }
0xb1: {  	_ =	task.clear_ibuf [dreg:s6], $0x5FFFF;
	_ =	strace $0x90000046  }
0xb2: {  	s29 =	simm.s32 $0x9;
	_ =	strace $0x80000048  }
0xb3: {  	_ =	swait.ge [sflag:s29], $0x1  }
0xb4: {  	[sflag:s29] =	ssyncadd.s32 $0xFFFFFFFF  }
0xb5: {  	_ =	strace $0x90000048  }
0xb6: {  	_ =	sfence  }
0xb7: {  	s30 =	sld [smem:$0x0];
	_ =	sdelay $0x2  }
0xb8: {  	s31 =	sshll.u32 s1, $0xD;
	s1 =	sshrl.u32 s1, $0x2  }
0xb9: {  	s3 =	sand.u32 $0x4000, s31;
	s1 =	sadd.s32 s1, s30  }
0xba: {  	s0 =	sor.u32 s3, s0;
	s1 =	sshll.u32 s1, $0x11  }
0xbb: {  	s0 =	sor.u32 s1, s0  }
0xbc: {  	s0 =	sadd.s32 $0x8F2B, s0  }
0xbd: {  	[sflag:s0] =	ssyncadd.remote.s32 $0x1  }
0xbe: {  	_ =	sfence.sel $0xFFFF  }
0xbf: {  	[dreg:$0x0] =	wrdreg $0xFFFFFFFF;
	(pc) =	sbr.abs _section_cstart, $3  }
0xc0: {  	[dreg:$0x1] =	wrdreg $0xFFFFFFFF  }
0xc1: {  	_ =	task.clear_ibuf [dreg:s6], $0x2FFFF;
	_ =	strace $0x9FFFFFFF  }
0xc2: {  	(tm) =	ssettm $0x7FFFFFFF  }
0xc3: {  	_ =	shalt  }
tec
execute0_lowered:
.L_overlay_start_1:
0x0: {  	(tag) =	ssettag $0x1  }
0x1: {  	s4 =	rddreg [dreg:$0x0]  }
0x2: {  	s0 =	srdreg.scid;
	s1 =	stileid.u32  }
0x3: {  	s2 =	rddreg [dreg:$0x1];
	s7 =	smul.u32 $0x14000, s1  }
0x4: {  	s3 =	simm.s32 $0x0;
	s13 =	simm.s32 $0x4000;
	s29 =	smul.u32 $0x50000, s1  }
0x5: {  	s14 =	simm.s32 $0x80;
	s5 =	sand.u32 $0x1, s0;
	s12 =	smul.u32 $0x4F0, s1  }
0x6: {  	s17 =	simm.s32 $0x0;
	s0 =	rddreg [dreg:$0x2];
	s6 =	smul.u32 $0x140000, s5  }
0x7: {  	[smem:$0x7FF] =	sst s3;
	s15 =	sshll.u32 s1, $0x6;
	s8 =	smul.u32 $0x4F00, s5  }
0x8: {  	_ =	strace $0x80000047;
	s5 =	ssub.s32 $0x2, s5;
	s15 =	sor.u32 $0x1C01, s15  }
0x9: {  	s30 =	sshrl.u32 s5, $0x1;
	s31 =	sshrl.u32 s29, $0x2;
	s6 =	sadd.s32 s7, s6  }
0xa: {  	s10 =	sadd.s32 s8, s4;
	s11 =	ssub.s32 s5, s30;
	s6 =	sshrl.u32 s6, $0x3  }
0xb: {  	s12 =	sadd.s32 s12, s10;
	s10 =	smax.u32 s11, $0x1;
	s9 =	sadd.s32 s6, s4  }
0xc: {  	s4 =	sadd.s32 s31, s2;
	s11 =	sadd.s32 $0x2000, s12;
	s12 =	simm.s32 $0x1  }
0xd: {  	s5 =	sadd.s32 $0x4000, s4;
	s6 =	sadd.s32 $0x8000, s4;
	s7 =	sadd.s32 $0xC000, s4  }
0xe: {  	v0 =	vimm.f32 $0.0e+00;
	v1 =	vimm.f32 $1.000000000e+00;
	s8 =	sadd.s32 $0x10000, s4;
	s9 =	sadd.s32 $0xBE00, s9;
	s16 =	sshrl.u32 s4, $0x3  }
.LBB2_1:
0xf: {  	s18 =	simm.s32 $0x200;
	s19 =	simm.s32 $0x0  }
.LBB2_2:
0x10: {  	p0 =	sne.s32 s18, $0xFE00;
	[tilespmem:s19+$0x0] =	vst v0;
	s19 =	smov.u32 s18;
	s18 =	sadd.s32 $0x200, s18  }
.Ltmp0:
0x11: {  	(pc) =	sbr.rel @p0 .LBB2_2-.Ltmp0, $2  }
0x12: {  	_ =	sdelay $0x2  }
0x13: {  	s19 =	sshra.s32 s19, $0x2  }
0x14: {  	[tilespmem:s19+$0x0] =	vst v0;
	s18 =	simm.s32 $0x0  }
0x15: {  	[spmem:s4] =	stream.linear.scatter [tilespmem:s18], [sflag:$0x1], $0x4000, $0x38;
	[tilespmem:$0x6880] =	vst v63  }
0x16: {  	_ =	swait.ge [sflag:s12], $0x4000  }
0x17: {  	[sflag:s12] =	ssyncset.done $0x0  }
0x18: {  	[sflag:s12] =	ssyncadd.s32 $0xFFFFC000  }
0x19: {  	[spmem:s5] =	stream.linear.scatter [tilespmem:s18], [sflag:$0x1], $0x4000, $0x38;
	[tilespmem:$0x6880] =	vst v63  }
0x1a: {  	_ =	swait.ge [sflag:s12], $0x4000  }
0x1b: {  	[sflag:s12] =	ssyncset.done $0x0  }
0x1c: {  	[sflag:s12] =	ssyncadd.s32 $0xFFFFC000  }
0x1d: {  	[spmem:s6] =	stream.linear.scatter [tilespmem:s18], [sflag:$0x1], $0x4000, $0x38;
	[tilespmem:$0x6880] =	vst v63  }
0x1e: {  	_ =	swait.ge [sflag:s12], $0x4000  }
0x1f: {  	[sflag:s12] =	ssyncset.done $0x0  }
0x20: {  	[sflag:s12] =	ssyncadd.s32 $0xFFFFC000  }
0x21: {  	[spmem:s7] =	stream.linear.scatter [tilespmem:s18], [sflag:$0x1], $0x4000, $0x38;
	[tilespmem:$0x6880] =	vst v63  }
0x22: {  	_ =	swait.ge [sflag:s12], $0x4000  }
0x23: {  	[sflag:s12] =	ssyncset.done $0x0  }
0x24: {  	[sflag:s12] =	ssyncadd.s32 $0xFFFFC000  }
0x25: {  	[spmem:s8] =	stream.linear.scatter [tilespmem:s18], [sflag:$0x1], $0x4000, $0x38;
	[tilespmem:$0x6880] =	vst v63  }
0x26: {  	_ =	swait.ge [sflag:s12], $0x4000  }
0x27: {  	[sflag:s12] =	ssyncset.done $0x0  }
0x28: {  	s19 =	simm.s32 $0x0;
	s18 =	simm.s32 $0x200;
	[sflag:s12] =	ssyncadd.s32 $0xFFFFC000  }
.LBB2_4:
0x29: {  	p0 =	sne.s32 s18, $0xFE00;
	[tilespmem:s19+$0x0] =	vst v1;
	s19 =	smov.u32 s18;
	s18 =	sadd.s32 $0x200, s18  }
.Ltmp1:
0x2a: {  	(pc) =	sbr.rel @p0 .LBB2_4-.Ltmp1, $2  }
0x2b: {  	_ =	sdelay $0x2  }
0x2c: {  	s19 =	sshra.s32 s19, $0x2  }
0x2d: {  	[tilespmem:s19+$0x0] =	vst v1  }
0x2e: {  	s18 =	sadd.s32 $0x0, s11;
	[bflag:$0x0] =	sbarrier.arrive $0xFFFF  }
0x2f: {  	[tilespmem:s13], [sflag:$0x1] =	stream.linear.gather [hbm4b:s18+s3], $0x80, $0x38;
	[tilespmem:$0x6880] =	vst v63  }
0x30: {  	_ =	swait.ge [sflag:s12], $0x80  }
0x31: {  	[sflag:s12] =	ssyncset.done $0x0  }
0x32: {  	[sflag:s12] =	ssyncadd.s32 $0xFFFFFF80  }
0x33: {  	[spmem:s2] =	stream.indirect.scatter.add.f32 [tilespmem:s3], [sflag:$0x1], $0x10, s13, s14, $0xb8;
	[tilespmem:$0x6880] =	vst v63  }
0x34: {  	_ =	swait.ge [sflag:s12], $0x800  }
0x35: {  	s19 =	simm.s32 $0x20;
	s18 =	simm.s32 $0x10;
	[sflag:s12] =	ssyncset.done $0x0  }
.LBB2_6:
0x36: {  	s20 =	sadd.s32 s18, s11  }
0x37: {  	[sflag:s12] =	ssyncadd.s32 $0xFFFFF800;
	s18 =	smov.u32 s19;
	s21 =	sadd.s32 $0x10, s19  }
0x38: {  	[tilespmem:s13], [sflag:$0x1] =	stream.linear.gather [hbm4b:s20+s3], $0x80, $0x38;
	[tilespmem:$0x6880] =	vst v63  }
0x39: {  	p0 =	sne.s32 s19, $0x4E0;
	_ =	swait.ge [sflag:s12], $0x80  }
.Ltmp2:
0x3a: {  	[sflag:s12] =	ssyncset.done $0x0;
	(pc) =	sbr.rel @p0 .LBB2_6-.Ltmp2, $4  }
0x3b: {  	[sflag:s12] =	ssyncadd.s32 $0xFFFFFF80  }
0x3c: {  	[spmem:s2] =	stream.indirect.scatter.add.f32 [tilespmem:s3], [sflag:$0x1], $0x10, s13, s14, $0xb8;
	[tilespmem:$0x6880] =	vst v63  }
0x3d: {  	_ =	swait.ge [sflag:s12], $0x800  }
0x3e: {  	s19 =	smov.u32 s21;
	[sflag:s12] =	ssyncset.done $0x0  }
0x3f: {  	s18 =	sadd.s32 s18, s11;
	[sflag:s12] =	ssyncadd.s32 $0xFFFFF800  }
0x40: {  	[tilespmem:s13], [sflag:$0x1] =	stream.linear.gather [hbm4b:s18+s3], $0x80, $0x38;
	[tilespmem:$0x6880] =	vst v63  }
0x41: {  	_ =	swait.ge [sflag:s12], $0x80  }
0x42: {  	[sflag:s12] =	ssyncset.done $0x0  }
0x43: {  	[sflag:s12] =	ssyncadd.s32 $0xFFFFFF80  }
0x44: {  	[spmem:s2] =	stream.indirect.scatter.add.f32 [tilespmem:s3], [sflag:$0x1], $0x10, s13, s14, $0xb8;
	[tilespmem:$0x6880] =	vst v63  }
0x45: {  	_ =	swait.ge [sflag:s12], $0x800  }
0x46: {  	s17 =	sadd.s32 $0x1, s17;
	[sflag:s12] =	ssyncset.done $0x0  }
0x47: {  	p0 =	sne.s32 s17, s10;
	[sflag:s12] =	ssyncadd.s32 $0xFFFFF800  }
.Ltmp3:
0x48: {  	[bflag:$0x0] =	sbarrier.arrive $0xFFFF;
	(pc) =	sbr.rel @p0 .LBB2_1-.Ltmp3, $4  }
0x49: {  	[hbm:s9], [sflag:s15] =	dma.local [spmem:s16], $0x2800  }
0x4a: {  	_ =	swait.ge [sflag:s12], $0x2800  }
0x4b: {  	[sflag:s12] =	ssyncset.done $0x0  }
0x4c: {  	[sflag:s12] =	ssyncadd.s32 $0xFFFFD800  }
0x4d: {  	_ =	sfence.sel $0x180000  }
0x4e: {  	[bflag:$0x0] =	sbarrier.arrive $0xFFFF  }
0x4f: {  	p0 =	sne.s32 s1, $0x0;
	_ =	strace $0x90000047  }
0x50: {  	s0 =	sadd.s32 @!p0 $0x100000, s0;
	[bflag:$0x2] =	sbarrier.arrive $0xFFFF  }
0x51: {  	[sflag:s0] =	ssyncadd.tile.s32 @!p0 $0x1;
	_ =	shalt  }
.Lfunc_end2:
_tile_overlayer_lowered:
.L_overlay_start_2:
0x52: {  	(tag) =	ssettag $0x2  }
0x53: {  	s0 =	rddreg [dreg:$0x0];
	s2 =	stileid.u32  }
0x54: {  	s1 =	rddreg [dreg:$0x1];
	p0 =	sne.s32 s2, $0x0  }
0x55: {  	s3 =	rddreg [dreg:$0x2];
	[bflag:$0x3] =	sbarrier.arrive $0xFFFF;
	s2 =	simm.s32 @!p0 $0x1C01  }
0x56: {  	[timem:s3], [sflag:s2] =	dma.local @!p0 [hbm:s0], s1  }
0x57: {  	s0 =	simm.s32 @!p0 $0x1  }
0x58: {  	_ =	swait.ge @!p0 [sflag:s0], s1  }
0x59: {  	s1 =	ssub.s32 @!p0 $0x0, s1;
	[sflag:s0] =	ssyncset.done @!p0 $0x0  }
0x5a: {  	[sflag:s0] =	ssyncadd.s32 @!p0 s1  }
0x5b: {  	[bflag:$0x3] =	sbarrier.arrive $0xFFFF  }
0x5c: {  	_ =	shalt  }

</sc_bundles>
